<compile_context>
chip_gen: v7x
topology: tpu7x:2x2x1
jax: 0.10.2.dev20260603
libtpu: 0.0.44.dev20260713+nightly
codegen_flags: <defaults>
</compile_context>

<pallas_src>
import jax
import jax.numpy as jnp
from jax.experimental import pallas as pl
from jax.experimental.pallas import tpu as pltpu
from jax.experimental.pallas import tpu_sc as plsc

_TC_BLK = 512
_STC = 3072
_BLKR = 8
_VEC = 16


def _tc_body(x_ref, e_ref, o_ref):
    o_ref[...] = x_ref[...] + e_ref[...][None, :, :]


def kernel(inputs, embeddings):
    batch, seq_len, dim = inputs.shape
    ssc = seq_len - _STC
    nseq_r = seq_len // _BLKR
    stc_b = _STC // _BLKR
    flat = inputs.reshape(batch * seq_len, dim)

    emb = pltpu.with_memory_space_constraint(
        embeddings[:seq_len], pltpu.MemorySpace.HBM
    )
    tc_full = pl.pallas_call(
        _tc_body,
        grid=(_STC // _TC_BLK,),
        in_specs=[
            pl.BlockSpec((batch, _TC_BLK, dim), lambda i: (0, i, 0)),
            pl.BlockSpec((_TC_BLK, dim), lambda i: (i, 0)),
        ],
        out_specs=pl.BlockSpec((batch, _TC_BLK, dim), lambda i: (0, i, 0)),
        out_shape=jax.ShapeDtypeStruct((batch, seq_len, dim), inputs.dtype),
    )(inputs, emb)

    mesh = plsc.VectorSubcoreMesh(core_axis_name="c", subcore_axis_name="s")

    @pl.kernel(
        out_type=jax.ShapeDtypeStruct((batch * ssc, dim), inputs.dtype),
        mesh=mesh,
    )
    def sc_add(x_hbm, e_hbm, o_hbm):
        def body(x_vmem, e_vmem, o_vmem):
            @pl.loop(0, _BLKR)
            def _(r):
                @plsc.parallel_loop(0, dim, step=_VEC, unroll=8)
                def _(c):
                    slc = (pl.ds(r, 1), pl.ds(c, _VEC))
                    o_vmem.at[*slc][...] = x_vmem.at[*slc][...] + e_vmem.at[*slc][...]

        pltpu.emit_pipeline(
            body,
            grid=(batch, ssc // _BLKR),
            in_specs=[
                pl.BlockSpec(
                    (_BLKR, dim), index_map=lambda b, i: (b * nseq_r + stc_b + i, 0)
                ),
                pl.BlockSpec((_BLKR, dim), index_map=lambda b, i: (stc_b + i, 0)),
            ],
            out_specs=[
                pl.BlockSpec(
                    (_BLKR, dim), index_map=lambda b, i: (b * (ssc // _BLKR) + i, 0)
                )
            ],
            core_axis_name=("c", "s"),
            dimension_semantics=(pltpu.PARALLEL, pltpu.PARALLEL),
        )(x_hbm, e_hbm, o_hbm)

    sc_piece = sc_add(flat, embeddings).reshape(batch, ssc, dim)
    return jax.lax.dynamic_update_slice(tc_full, sc_piece, (0, _STC, 0))

# --- scband reference (transcript-rebuilt; emitter-appended) ---
"""Pipeline reference for scband-position-embedding-36326833389921 (READ-ONLY COPY).

The authoritative reference and input builder live on the scoring server;
editing this copy changes nothing except your own understanding.
"""

import jax, jax.numpy as jnp
import numpy as np

MAX_POSITION = 4096
EMBED_DIM = 1024
BATCH = 2
SEQ_LEN = 4096

def setup_inputs(seed: int = 0) -> dict:
    key = jax.random.key(seed)
    k1, k2 = jax.random.split(key)
    inputs = jax.random.normal(k1, (BATCH, SEQ_LEN, EMBED_DIM), dtype=jnp.float32)
    # learned position embedding table (initializer is 'zeros' in the original,
    # but we use small random values so the computation is numerically meaningful)
    embeddings = jax.random.normal(k2, (MAX_POSITION, EMBED_DIM), dtype=jnp.float32) * 0.02
    return {"inputs": inputs, "embeddings": embeddings}

def reference(inputs, embeddings):
    # PositionEmbedding.call with a single input, merge_mode='add', hierarchical=None:
    #   position_ids = range(seq_len) (implicit)
    #   embeddings_slice = self.embeddings[None, :seq_len]
    #   return inputs + embeddings_slice
    seq_len = inputs.shape[1]
    pos_emb = embeddings[None, :seq_len, :]
    return inputs + pos_emb

if __name__ == "__main__":
    import jax
    _d = setup_inputs()
    print(jax.jit(kernel)(*tuple(_d.values())))

</pallas_src>

<mosaic_0001>
#map = affine_map<(d0, d1) -> (0, 0)>
module attributes {stable_mosaic.version = 14 : i64} {
  func.func @sc_add(%arg0: i32, %arg1: i32, %arg2: memref<8192x1024xf32, #tpu.memory_space<hbm>>, %arg3: memref<4096x1024xf32, #tpu.memory_space<hbm>>, %arg4: memref<2048x1024xf32, #tpu.memory_space<hbm>>) attributes {dimension_semantics = [#tpu.dimension_semantics<core_parallel>, #tpu.dimension_semantics<subcore_parallel>], iteration_bounds = array<i64: 2, 16>, scalar_prefetch = 0 : i64, scratch_operands = 0 : i64, tpu.core_type = #tpu.core_type<sc_vector_subcore>, window_params = [{transform_indices = #map}, {transform_indices = #map}, {transform_indices = #map}]} {
    %mul3A = arith.constant 1 : i32
    %mul3A_0 = arith.muli %arg1, %mul3A : i32
    %add3A = arith.constant 0 : i32
    %add3A_1 = arith.addi %add3A, %mul3A_0 : i32
    %mul3A_2 = arith.constant 16 : i32
    %mul3A_3 = arith.muli %arg0, %mul3A_2 : i32
    %add3A_4 = arith.addi %add3A_1, %mul3A_3 : i32
    %mul3A_5 = arith.constant 4 : i32
    %mul3A_6 = arith.muli %add3A_4, %mul3A_5 : i32
    "tpu.region"() ({
      %run_scoped3A = memref.alloca() : memref<2x8x1024xf32, #tpu.memory_space<vmem>>
      %run_scoped3A_7 = tpu.sem_alloc : memref<2x!tpu.dma_semaphore, #tpu.memory_space<semaphore_mem>>
      %run_scoped3A_8 = memref.alloca() : memref<2x8x1024xf32, #tpu.memory_space<vmem>>
      %run_scoped3A_9 = tpu.sem_alloc : memref<2x!tpu.dma_semaphore, #tpu.memory_space<semaphore_mem>>
      %run_scoped3A_10 = memref.alloca() : memref<2x8x1024xf32, #tpu.memory_space<vmem>>
      %run_scoped3A_11 = tpu.sem_alloc : memref<2x!tpu.dma_semaphore, #tpu.memory_space<semaphore_mem>>
      %add3A_12 = arith.constant 0 : i32
      %add3A_13 = arith.addi %add3A_12, %mul3A_6 : i32
      %select_n3A = arith.constant true
      %select_n3A_14 = arith.constant 0 : i32
      %select_n3A_15 = arith.constant -1 : i32
      %select_n3A_16 = arith.select %select_n3A, %select_n3A_15, %select_n3A_14 : i32
      %eq3A = arith.constant -1 : i32
      %eq3A_17 = arith.cmpi eq, %select_n3A_16, %eq3A : i32
      %select_n3A_18 = arith.constant 3 : i32
      %select_n3A_19 = arith.select %eq3A_17, %select_n3A_18, %select_n3A_16 : i32
      %select_n3A_20 = arith.constant 0 : i32
      %select_n3A_21 = arith.constant -1 : i32
      %select_n3A_22 = arith.select %eq3A_17, %select_n3A_21, %select_n3A_20 : i32
      %eq3A_23 = arith.constant -1 : i32
      %eq3A_24 = arith.cmpi eq, %select_n3A_22, %eq3A_23 : i32
      %select_n3A_25 = arith.constant 1 : i32
      %select_n3A_26 = arith.select %eq3A_24, %select_n3A_25, %select_n3A_22 : i32
      %add3A_27 = arith.constant 0 : i32
      %add3A_28 = arith.addi %select_n3A_26, %add3A_27 : i32
      %add3A_29 = arith.addi %select_n3A_19, %mul3A_6 : i32
      %select_n3A_30 = arith.constant true
      %select_n3A_31 = arith.constant 0 : i32
      %select_n3A_32 = arith.constant 1 : i32
      %select_n3A_33 = arith.select %select_n3A_30, %select_n3A_32, %select_n3A_31 : i32
      %eq3A_34 = arith.constant 4 : i32
      %eq3A_35 = arith.cmpi eq, %select_n3A_33, %eq3A_34 : i32
      %select_n3A_36 = arith.constant 0 : i32
      %select_n3A_37 = arith.select %eq3A_35, %select_n3A_36, %select_n3A_33 : i32
      %select_n3A_38 = arith.constant 0 : i32
      %select_n3A_39 = arith.constant 1 : i32
      %select_n3A_40 = arith.select %eq3A_35, %select_n3A_39, %select_n3A_38 : i32
      %eq3A_41 = arith.constant 2 : i32
      %eq3A_42 = arith.cmpi eq, %select_n3A_40, %eq3A_41 : i32
      %select_n3A_43 = arith.constant 0 : i32
      %select_n3A_44 = arith.select %eq3A_42, %select_n3A_43, %select_n3A_40 : i32
      %add3A_45 = arith.constant 0 : i32
      %add3A_46 = arith.addi %select_n3A_44, %add3A_45 : i32
      %add3A_47 = arith.addi %select_n3A_37, %mul3A_6 : i32
      %add3A_48 = arith.constant 1 : i32
      %add3A_49 = arith.addi %select_n3A_37, %add3A_48 : i32
      %select_n3A_50 = arith.constant true
      %select_n3A_51 = arith.select %select_n3A_50, %add3A_49, %select_n3A_37 : i32
      %eq3A_52 = arith.constant 4 : i32
      %eq3A_53 = arith.cmpi eq, %select_n3A_51, %eq3A_52 : i32
      %select_n3A_54 = arith.constant 0 : i32
      %select_n3A_55 = arith.select %eq3A_53, %select_n3A_54, %select_n3A_51 : i32
      %add3A_56 = arith.constant 1 : i32
      %add3A_57 = arith.addi %select_n3A_44, %add3A_56 : i32
      %select_n3A_58 = arith.select %eq3A_53, %add3A_57, %select_n3A_44 : i32
      %eq3A_59 = arith.constant 2 : i32
      %eq3A_60 = arith.cmpi eq, %select_n3A_58, %eq3A_59 : i32
      %select_n3A_61 = arith.constant 0 : i32
      %select_n3A_62 = arith.select %eq3A_60, %select_n3A_61, %select_n3A_58 : i32
      %add3A_63 = arith.constant 0 : i32
      %add3A_64 = arith.addi %select_n3A_62, %add3A_63 : i32
      %add3A_65 = arith.addi %select_n3A_55, %mul3A_6 : i32
      "tpu.trace_start"() <{level = 10 : i32, message = "ep_initialize_0"}> : () -> ()
      %rem3A = arith.constant 0 : i32
      %rem3A_66 = arith.constant 2 : i32
      %rem3A_67 = arith.remui %rem3A, %rem3A_66 : i32
      %add3A_68 = arith.constant 384 : i32
      %add3A_69 = arith.addi %add3A_68, %add3A_13 : i32
      %mul3A_70 = arith.constant 8 : i32
      %mul3A_71 = arith.muli %mul3A_70, %add3A_69 : i32
      %dma_start3A = arith.constant 0 : i32
      %dma_start3A_72 = arith.constant 0 : i32
      %dma_start3A_73 = tpu.memref_slice %run_scoped3A[%rem3A_67, %dma_start3A, %dma_start3A_72] : memref<2x8x1024xf32, #tpu.memory_space<vmem>> -> memref<1x8x1024xf32, #tpu.memory_space<vmem>>
      %dma_start3A_74 = tpu.memref_squeeze %dma_start3A_73 : memref<1x8x1024xf32, #tpu.memory_space<vmem>> -> memref<8x1024xf32, #tpu.memory_space<vmem>>
      %dma_start3A_75 = arith.constant 0 : i32
      %dma_start3A_76 = tpu.memref_slice %arg2[%mul3A_71, %dma_start3A_75] : memref<8192x1024xf32, #tpu.memory_space<hbm>> -> memref<8x1024xf32, #tpu.memory_space<hbm>>
      %dma_start3A_77 = tpu.memref_slice %run_scoped3A_7[%rem3A_67] : memref<2x!tpu.dma_semaphore, #tpu.memory_space<semaphore_mem>> -> memref<1x!tpu.dma_semaphore, #tpu.memory_space<semaphore_mem>>
      %dma_start3A_78 = tpu.memref_squeeze %dma_start3A_77 : memref<1x!tpu.dma_semaphore, #tpu.memory_space<semaphore_mem>> -> memref<!tpu.dma_semaphore, #tpu.memory_space<semaphore_mem>>
      %dma_start3A_79 = arith.constant 0 : i32
      %dma_start3A_80 = arith.constant 0 : i32
      %dma_start3A_81 = tpu.memref_slice %run_scoped3A[%rem3A_67, %dma_start3A_79, %dma_start3A_80] : memref<2x8x1024xf32, #tpu.memory_space<vmem>> -> memref<1x8x1024xf32, #tpu.memory_space<vmem>>
      %dma_start3A_82 = tpu.memref_squeeze %dma_start3A_81 : memref<1x8x1024xf32, #tpu.memory_space<vmem>> -> memref<8x1024xf32, #tpu.memory_space<vmem>>
      %dma_start3A_83 = arith.constant 0 : i32
      %dma_start3A_84 = tpu.memref_slice %arg2[%mul3A_71, %dma_start3A_83] : memref<8192x1024xf32, #tpu.memory_space<hbm>> -> memref<8x1024xf32, #tpu.memory_space<hbm>>
      tpu.enqueue_dma source(%dma_start3A_84 : memref<8x1024xf32, #tpu.memory_space<hbm>>) target(%dma_start3A_82 : memref<8x1024xf32, #tpu.memory_space<vmem>>) target_semaphore(%dma_start3A_78 : memref<!tpu.dma_semaphore, #tpu.memory_space<semaphore_mem>>)
      %add3A_85 = arith.constant 0 : i32
      %add3A_86 = arith.constant 1 : i32
      %add3A_87 = arith.addi %add3A_85, %add3A_86 : i32
      %select_n3A_88 = arith.constant true
      %select_n3A_89 = arith.constant 0 : i32
      %select_n3A_90 = arith.select %select_n3A_88, %add3A_87, %select_n3A_89 : i32
      %rem3A_91 = arith.constant 0 : i32
      %rem3A_92 = arith.constant 2 : i32
      %rem3A_93 = arith.remui %rem3A_91, %rem3A_92 : i32
      %add3A_94 = arith.constant 384 : i32
      %add3A_95 = arith.addi %add3A_94, %add3A_13 : i32
      %mul3A_96 = arith.constant 8 : i32
      %mul3A_97 = arith.muli %mul3A_96, %add3A_95 : i32
      %dma_start3A_98 = arith.constant 0 : i32
      %dma_start3A_99 = arith.constant 0 : i32
      %dma_start3A_100 = tpu.memref_slice %run_scoped3A_8[%rem3A_93, %dma_start3A_98, %dma_start3A_99] : memref<2x8x1024xf32, #tpu.memory_space<vmem>> -> memref<1x8x1024xf32, #tpu.memory_space<vmem>>
      %dma_start3A_101 = tpu.memref_squeeze %dma_start3A_100 : memref<1x8x1024xf32, #tpu.memory_space<vmem>> -> memref<8x1024xf32, #tpu.memory_space<vmem>>
      %dma_start3A_102 = arith.constant 0 : i32
      %dma_start3A_103 = tpu.memref_slice %arg3[%mul3A_97, %dma_start3A_102] : memref<4096x1024xf32, #tpu.memory_space<hbm>> -> memref<8x1024xf32, #tpu.memory_space<hbm>>
      %dma_start3A_104 = tpu.memref_slice %run_scoped3A_9[%rem3A_93] : memref<2x!tpu.dma_semaphore, #tpu.memory_space<semaphore_mem>> -> memref<1x!tpu.dma_semaphore, #tpu.memory_space<semaphore_mem>>
      %dma_start3A_105 = tpu.memref_squeeze %dma_start3A_104 : memref<1x!tpu.dma_semaphore, #tpu.memory_space<semaphore_mem>> -> memref<!tpu.dma_semaphore, #tpu.memory_space<semaphore_mem>>
      %dma_start3A_106 = arith.constant 0 : i32
      %dma_start3A_107 = arith.constant 0 : i32
      %dma_start3A_108 = tpu.memref_slice %run_scoped3A_8[%rem3A_93, %dma_start3A_106, %dma_start3A_107] : memref<2x8x1024xf32, #tpu.memory_space<vmem>> -> memref<1x8x1024xf32, #tpu.memory_space<vmem>>
      %dma_start3A_109 = tpu.memref_squeeze %dma_start3A_108 : memref<1x8x1024xf32, #tpu.memory_space<vmem>> -> memref<8x1024xf32, #tpu.memory_space<vmem>>
      %dma_start3A_110 = arith.constant 0 : i32
      %dma_start3A_111 = tpu.memref_slice %arg3[%mul3A_97, %dma_start3A_110] : memref<4096x1024xf32, #tpu.memory_space<hbm>> -> memref<8x1024xf32, #tpu.memory_space<hbm>>
      tpu.enqueue_dma source(%dma_start3A_111 : memref<8x1024xf32, #tpu.memory_space<hbm>>) target(%dma_start3A_109 : memref<8x1024xf32, #tpu.memory_space<vmem>>) target_semaphore(%dma_start3A_105 : memref<!tpu.dma_semaphore, #tpu.memory_space<semaphore_mem>>)
      %add3A_112 = arith.constant 0 : i32
      %add3A_113 = arith.constant 1 : i32
      %add3A_114 = arith.addi %add3A_112, %add3A_113 : i32
      %select_n3A_115 = arith.constant true
      %select_n3A_116 = arith.constant 0 : i32
      %select_n3A_117 = arith.select %select_n3A_115, %add3A_114, %select_n3A_116 : i32
      "tpu.trace_stop"() : () -> ()
      %scan3A = arith.constant 0 : i32
      %scan3A_118 = arith.constant 0 : i32
      %scan3A_119 = arith.constant 0 : i32
      %scan3A_120 = arith.constant 0 : i32
      %scan3A_121 = arith.constant 0 : i32
      %scan3A_122 = arith.constant 0 : i32
      %scan3A_123 = arith.constant 0 : i32
      %scan3A_124 = arith.constant 8 : i32
      %scan3A_125 = arith.addi %scan3A_123, %scan3A_124 : i32
      %scan3A_126 = arith.constant 1 : i32
      %scan3A_127:8 = scf.for %scan3A_220 = %scan3A_123 to %scan3A_125 step %scan3A_126 iter_args(%scan3A_221 = %select_n3A_90, %scan3A_222 = %scan3A, %scan3A_223 = %select_n3A_117, %scan3A_224 = %scan3A_118, %scan3A_225 = %scan3A_119, %scan3A_226 = %scan3A_120, %scan3A_227 = %scan3A_121, %scan3A_228 = %scan3A_122) -> (i32, i32, i32, i32, i32, i32, i32, i32)  : i32 {
        %eq3A_229 = arith.constant 0 : i32
        %eq3A_230 = arith.cmpi eq, %scan3A_220, %eq3A_229 : i32
        %eq3A_231 = arith.constant 7 : i32
        %eq3A_232 = arith.cmpi eq, %scan3A_220, %eq3A_231 : i32
        %add3A_233 = arith.constant 0 : i32
        %add3A_234 = arith.addi %scan3A_227, %add3A_233 : i32
        %add3A_235 = arith.addi %scan3A_228, %mul3A_6 : i32
        %sub3A_236 = arith.constant 1 : i32
        %sub3A_237 = arith.subi %scan3A_228, %sub3A_236 : i32
        %select_n3A_238 = arith.constant true
        %select_n3A_239 = arith.select %select_n3A_238, %sub3A_237, %scan3A_228 : i32
        %eq3A_240 = arith.constant -1 : i32
        %eq3A_241 = arith.cmpi eq, %select_n3A_239, %eq3A_240 : i32
        %select_n3A_242 = arith.constant 3 : i32
        %select_n3A_243 = arith.select %eq3A_241, %select_n3A_242, %select_n3A_239 : i32
        %sub3A_244 = arith.constant 1 : i32
        %sub3A_245 = arith.subi %scan3A_227, %sub3A_244 : i32
        %select_n3A_246 = arith.select %eq3A_241, %sub3A_245, %scan3A_227 : i32
        %eq3A_247 = arith.constant -1 : i32
        %eq3A_248 = arith.cmpi eq, %select_n3A_246, %eq3A_247 : i32
        %select_n3A_249 = arith.constant 1 : i32
        %select_n3A_250 = arith.select %eq3A_248, %select_n3A_249, %select_n3A_246 : i32
        %add3A_251 = arith.constant 0 : i32
        %add3A_252 = arith.addi %select_n3A_250, %add3A_251 : i32
        %add3A_253 = arith.addi %select_n3A_243, %mul3A_6 : i32
        %add3A_254 = arith.constant 1 : i32
        %add3A_255 = arith.addi %scan3A_228, %add3A_254 : i32
        %select_n3A_256 = arith.constant true
        %select_n3A_257 = arith.select %select_n3A_256, %add3A_255, %scan3A_228 : i32
        %eq3A_258 = arith.constant 4 : i32
        %eq3A_259 = arith.cmpi eq, %select_n3A_257, %eq3A_258 : i32
        %select_n3A_260 = arith.constant 0 : i32
        %select_n3A_261 = arith.select %eq3A_259, %select_n3A_260, %select_n3A_257 : i32
        %add3A_262 = arith.constant 1 : i32
        %add3A_263 = arith.addi %scan3A_227, %add3A_262 : i32
        %select_n3A_264 = arith.select %eq3A_259, %add3A_263, %scan3A_227 : i32
        %eq3A_265 = arith.constant 2 : i32
        %eq3A_266 = arith.cmpi eq, %select_n3A_264, %eq3A_265 : i32
        %select_n3A_267 = arith.constant 0 : i32
        %select_n3A_268 = arith.select %eq3A_266, %select_n3A_267, %select_n3A_264 : i32
        %add3A_269 = arith.constant 0 : i32
        %add3A_270 = arith.addi %select_n3A_268, %add3A_269 : i32
        %add3A_271 = arith.addi %select_n3A_261, %mul3A_6 : i32
        %add3A_272 = arith.constant 1 : i32
        %add3A_273 = arith.addi %select_n3A_261, %add3A_272 : i32
        %select_n3A_274 = arith.constant true
        %select_n3A_275 = arith.select %select_n3A_274, %add3A_273, %select_n3A_261 : i32
        %eq3A_276 = arith.constant 4 : i32
        %eq3A_277 = arith.cmpi eq, %select_n3A_275, %eq3A_276 : i32
        %select_n3A_278 = arith.constant 0 : i32
        %select_n3A_279 = arith.select %eq3A_277, %select_n3A_278, %select_n3A_275 : i32
        %add3A_280 = arith.constant 1 : i32
        %add3A_281 = arith.addi %select_n3A_268, %add3A_280 : i32
        %select_n3A_282 = arith.select %eq3A_277, %add3A_281, %select_n3A_268 : i32
        %eq3A_283 = arith.constant 2 : i32
        %eq3A_284 = arith.cmpi eq, %select_n3A_282, %eq3A_283 : i32
        %select_n3A_285 = arith.constant 0 : i32
        %select_n3A_286 = arith.select %eq3A_284, %select_n3A_285, %select_n3A_282 : i32
        %add3A_287 = arith.constant 0 : i32
        %add3A_288 = arith.addi %select_n3A_286, %add3A_287 : i32
        %add3A_289 = arith.addi %select_n3A_279, %mul3A_6 : i32
        %mul3A_290 = arith.constant 512 : i32
        %mul3A_291 = arith.muli %add3A_234, %mul3A_290 : i32
        %add3A_292 = arith.constant 384 : i32
        %add3A_293 = arith.addi %mul3A_291, %add3A_292 : i32
        %add3A_294 = arith.addi %add3A_293, %add3A_235 : i32
        %mul3A_295 = arith.constant 512 : i32
        %mul3A_296 = arith.muli %add3A_270, %mul3A_295 : i32
        %add3A_297 = arith.constant 384 : i32
        %add3A_298 = arith.addi %mul3A_296, %add3A_297 : i32
        %add3A_299 = arith.addi %add3A_298, %add3A_271 : i32
        %ne3A = arith.cmpi ne, %add3A_294, %add3A_299 : i32
        %or3A = arith.constant false
        %or3A_300 = arith.ori %or3A, %ne3A : i1
        %or3A_301 = arith.constant false
        %or3A_302 = arith.ori %or3A_300, %or3A_301 : i1
        %ge3A = arith.constant 7 : i32
        %ge3A_303 = arith.cmpi sge, %scan3A_220, %ge3A : i32
        %not3A = arith.constant true
        %not3A_304 = arith.xori %ge3A_303, %not3A : i1
        %and3A = arith.andi %or3A_302, %not3A_304 : i1
        %convert_element_type3A = arith.extui %and3A : i1 to i32
        %cond3A = arith.constant 0 : i32
        %cond3A_305 = arith.cmpi ne, %convert_element_type3A, %cond3A : i32
        scf.if %cond3A_305 {
          "tpu.trace_start"() <{level = 10 : i32, message = "ep_copy_in"}> : () -> ()
          %rem3A_572 = arith.constant 2 : i32
          %rem3A_573 = arith.remui %scan3A_221, %rem3A_572 : i32
          %mul3A_574 = arith.constant 512 : i32
          %mul3A_575 = arith.muli %add3A_270, %mul3A_574 : i32
          %add3A_576 = arith.constant 384 : i32
          %add3A_577 = arith.addi %mul3A_575, %add3A_576 : i32
          %add3A_578 = arith.addi %add3A_577, %add3A_271 : i32
          %mul3A_579 = arith.constant 8 : i32
          %mul3A_580 = arith.muli %mul3A_579, %add3A_578 : i32
          %dma_start3A_581 = arith.constant 0 : i32
          %dma_start3A_582 = arith.constant 0 : i32
          %dma_start3A_583 = tpu.memref_slice %run_scoped3A[%rem3A_573, %dma_start3A_581, %dma_start3A_582] : memref<2x8x1024xf32, #tpu.memory_space<vmem>> -> memref<1x8x1024xf32, #tpu.memory_space<vmem>>
          %dma_start3A_584 = tpu.memref_squeeze %dma_start3A_583 : memref<1x8x1024xf32, #tpu.memory_space<vmem>> -> memref<8x1024xf32, #tpu.memory_space<vmem>>
          %dma_start3A_585 = arith.constant 0 : i32
          %dma_start3A_586 = tpu.memref_slice %arg2[%mul3A_580, %dma_start3A_585] : memref<8192x1024xf32, #tpu.memory_space<hbm>> -> memref<8x1024xf32, #tpu.memory_space<hbm>>
          %dma_start3A_587 = tpu.memref_slice %run_scoped3A_7[%rem3A_573] : memref<2x!tpu.dma_semaphore, #tpu.memory_space<semaphore_mem>> -> memref<1x!tpu.dma_semaphore, #tpu.memory_space<semaphore_mem>>
          %dma_start3A_588 = tpu.memref_squeeze %dma_start3A_587 : memref<1x!tpu.dma_semaphore, #tpu.memory_space<semaphore_mem>> -> memref<!tpu.dma_semaphore, #tpu.memory_space<semaphore_mem>>
          %dma_start3A_589 = arith.constant 0 : i32
          %dma_start3A_590 = arith.constant 0 : i32
          %dma_start3A_591 = tpu.memref_slice %run_scoped3A[%rem3A_573, %dma_start3A_589, %dma_start3A_590] : memref<2x8x1024xf32, #tpu.memory_space<vmem>> -> memref<1x8x1024xf32, #tpu.memory_space<vmem>>
          %dma_start3A_592 = tpu.memref_squeeze %dma_start3A_591 : memref<1x8x1024xf32, #tpu.memory_space<vmem>> -> memref<8x1024xf32, #tpu.memory_space<vmem>>
          %dma_start3A_593 = arith.constant 0 : i32
          %dma_start3A_594 = tpu.memref_slice %arg2[%mul3A_580, %dma_start3A_593] : memref<8192x1024xf32, #tpu.memory_space<hbm>> -> memref<8x1024xf32, #tpu.memory_space<hbm>>
          tpu.enqueue_dma source(%dma_start3A_594 : memref<8x1024xf32, #tpu.memory_space<hbm>>) target(%dma_start3A_592 : memref<8x1024xf32, #tpu.memory_space<vmem>>) target_semaphore(%dma_start3A_588 : memref<!tpu.dma_semaphore, #tpu.memory_space<semaphore_mem>>)
          "tpu.trace_stop"() : () -> ()
        } else {
        }
        %and3A_306 = arith.constant true
        %and3A_307 = arith.andi %and3A, %and3A_306 : i1
        %add3A_308 = arith.constant 1 : i32
        %add3A_309 = arith.addi %scan3A_221, %add3A_308 : i32
        %select_n3A_310 = arith.select %and3A_307, %add3A_309, %scan3A_221 : i32
        %add3A_311 = arith.constant 384 : i32
        %add3A_312 = arith.addi %add3A_311, %add3A_235 : i32
        %add3A_313 = arith.constant 384 : i32
        %add3A_314 = arith.addi %add3A_313, %add3A_271 : i32
        %ne3A_315 = arith.cmpi ne, %add3A_312, %add3A_314 : i32
        %or3A_316 = arith.constant false
        %or3A_317 = arith.ori %or3A_316, %ne3A_315 : i1
        %or3A_318 = arith.constant false
        %or3A_319 = arith.ori %or3A_317, %or3A_318 : i1
        %ge3A_320 = arith.constant 7 : i32
        %ge3A_321 = arith.cmpi sge, %scan3A_220, %ge3A_320 : i32
        %not3A_322 = arith.constant true
        %not3A_323 = arith.xori %ge3A_321, %not3A_322 : i1
        %and3A_324 = arith.andi %or3A_319, %not3A_323 : i1
        %convert_element_type3A_325 = arith.extui %and3A_324 : i1 to i32
        %cond3A_326 = arith.constant 0 : i32
        %cond3A_327 = arith.cmpi ne, %convert_element_type3A_325, %cond3A_326 : i32
        scf.if %cond3A_327 {
          "tpu.trace_start"() <{level = 10 : i32, message = "ep_copy_in"}> : () -> ()
          %rem3A_572 = arith.constant 2 : i32
          %rem3A_573 = arith.remui %scan3A_223, %rem3A_572 : i32
          %add3A_574 = arith.constant 384 : i32
          %add3A_575 = arith.addi %add3A_574, %add3A_271 : i32
          %mul3A_576 = arith.constant 8 : i32
          %mul3A_577 = arith.muli %mul3A_576, %add3A_575 : i32
          %dma_start3A_578 = arith.constant 0 : i32
          %dma_start3A_579 = arith.constant 0 : i32
          %dma_start3A_580 = tpu.memref_slice %run_scoped3A_8[%rem3A_573, %dma_start3A_578, %dma_start3A_579] : memref<2x8x1024xf32, #tpu.memory_space<vmem>> -> memref<1x8x1024xf32, #tpu.memory_space<vmem>>
          %dma_start3A_581 = tpu.memref_squeeze %dma_start3A_580 : memref<1x8x1024xf32, #tpu.memory_space<vmem>> -> memref<8x1024xf32, #tpu.memory_space<vmem>>
          %dma_start3A_582 = arith.constant 0 : i32
          %dma_start3A_583 = tpu.memref_slice %arg3[%mul3A_577, %dma_start3A_582] : memref<4096x1024xf32, #tpu.memory_space<hbm>> -> memref<8x1024xf32, #tpu.memory_space<hbm>>
          %dma_start3A_584 = tpu.memref_slice %run_scoped3A_9[%rem3A_573] : memref<2x!tpu.dma_semaphore, #tpu.memory_space<semaphore_mem>> -> memref<1x!tpu.dma_semaphore, #tpu.memory_space<semaphore_mem>>
          %dma_start3A_585 = tpu.memref_squeeze %dma_start3A_584 : memref<1x!tpu.dma_semaphore, #tpu.memory_space<semaphore_mem>> -> memref<!tpu.dma_semaphore, #tpu.memory_space<semaphore_mem>>
          %dma_start3A_586 = arith.constant 0 : i32
          %dma_start3A_587 = arith.constant 0 : i32
          %dma_start3A_588 = tpu.memref_slice %run_scoped3A_8[%rem3A_573, %dma_start3A_586, %dma_start3A_587] : memref<2x8x1024xf32, #tpu.memory_space<vmem>> -> memref<1x8x1024xf32, #tpu.memory_space<vmem>>
          %dma_start3A_589 = tpu.memref_squeeze %dma_start3A_588 : memref<1x8x1024xf32, #tpu.memory_space<vmem>> -> memref<8x1024xf32, #tpu.memory_space<vmem>>
          %dma_start3A_590 = arith.constant 0 : i32
          %dma_start3A_591 = tpu.memref_slice %arg3[%mul3A_577, %dma_start3A_590] : memref<4096x1024xf32, #tpu.memory_space<hbm>> -> memref<8x1024xf32, #tpu.memory_space<hbm>>
          tpu.enqueue_dma source(%dma_start3A_591 : memref<8x1024xf32, #tpu.memory_space<hbm>>) target(%dma_start3A_589 : memref<8x1024xf32, #tpu.memory_space<vmem>>) target_semaphore(%dma_start3A_585 : memref<!tpu.dma_semaphore, #tpu.memory_space<semaphore_mem>>)
          "tpu.trace_stop"() : () -> ()
        } else {
        }
        %and3A_328 = arith.constant true
        %and3A_329 = arith.andi %and3A_324, %and3A_328 : i1
        %add3A_330 = arith.constant 1 : i32
        %add3A_331 = arith.addi %scan3A_223, %add3A_330 : i32
        %select_n3A_332 = arith.select %and3A_329, %add3A_331, %scan3A_223 : i32
        %mul3A_333 = arith.constant 128 : i32
        %mul3A_334 = arith.muli %add3A_234, %mul3A_333 : i32
        %add3A_335 = arith.addi %mul3A_334, %add3A_235 : i32
        %mul3A_336 = arith.constant 128 : i32
        %mul3A_337 = arith.muli %add3A_270, %mul3A_336 : i32
        %add3A_338 = arith.addi %mul3A_337, %add3A_271 : i32
        %ne3A_339 = arith.cmpi ne, %add3A_335, %add3A_338 : i32
        %or3A_340 = arith.constant false
        %or3A_341 = arith.ori %or3A_340, %ne3A_339 : i1
        %or3A_342 = arith.constant false
        %or3A_343 = arith.ori %or3A_341, %or3A_342 : i1
        %ge3A_344 = arith.constant 7 : i32
        %ge3A_345 = arith.cmpi sge, %scan3A_220, %ge3A_344 : i32
        %not3A_346 = arith.constant true
        %not3A_347 = arith.xori %ge3A_345, %not3A_346 : i1
        %and3A_348 = arith.andi %or3A_343, %not3A_347 : i1
        %mul3A_349 = arith.constant 512 : i32
        %mul3A_350 = arith.muli %add3A_234, %mul3A_349 : i32
        %add3A_351 = arith.constant 384 : i32
        %add3A_352 = arith.addi %mul3A_350, %add3A_351 : i32
        %add3A_353 = arith.addi %add3A_352, %add3A_235 : i32
        %mul3A_354 = arith.constant 512 : i32
        %mul3A_355 = arith.muli %add3A_252, %mul3A_354 : i32
        %add3A_356 = arith.constant 384 : i32
        %add3A_357 = arith.addi %mul3A_355, %add3A_356 : i32
        %add3A_358 = arith.addi %add3A_357, %add3A_253 : i32
        %ne3A_359 = arith.cmpi ne, %add3A_353, %add3A_358 : i32
        %or3A_360 = arith.constant false
        %or3A_361 = arith.ori %or3A_360, %ne3A_359 : i1
        %or3A_362 = arith.constant false
        %or3A_363 = arith.ori %or3A_361, %or3A_362 : i1
        %or3A_364 = arith.ori %or3A_363, %eq3A_230 : i1
        %convert_element_type3A_365 = arith.extui %or3A_364 : i1 to i32
        %cond3A_366 = arith.constant 0 : i32
        %cond3A_367 = arith.cmpi ne, %convert_element_type3A_365, %cond3A_366 : i32
        scf.if %cond3A_367 {
          "tpu.trace_start"() <{level = 10 : i32, message = "ep_wait_in"}> : () -> ()
          %mul3A_572 = arith.constant 512 : i32
          %mul3A_573 = arith.muli %add3A_234, %mul3A_572 : i32
          %add3A_574 = arith.constant 384 : i32
          %add3A_575 = arith.addi %mul3A_573, %add3A_574 : i32
          %add3A_576 = arith.addi %add3A_575, %add3A_235 : i32
          %mul3A_577 = arith.constant 8 : i32
          %mul3A_578 = arith.muli %mul3A_577, %add3A_576 : i32
          %rem3A_579 = arith.constant 2 : i32
          %rem3A_580 = arith.remui %scan3A_222, %rem3A_579 : i32
          %dma_wait3A_581 = arith.constant 0 : i32
          %dma_wait3A_582 = arith.constant 0 : i32
          %dma_wait3A_583 = tpu.memref_slice %run_scoped3A[%rem3A_580, %dma_wait3A_581, %dma_wait3A_582] : memref<2x8x1024xf32, #tpu.memory_space<vmem>> -> memref<1x8x1024xf32, #tpu.memory_space<vmem>>
          %dma_wait3A_584 = tpu.memref_squeeze %dma_wait3A_583 : memref<1x8x1024xf32, #tpu.memory_space<vmem>> -> memref<8x1024xf32, #tpu.memory_space<vmem>>
          %dma_wait3A_585 = arith.constant 0 : i32
          %dma_wait3A_586 = tpu.memref_slice %arg2[%mul3A_578, %dma_wait3A_585] : memref<8192x1024xf32, #tpu.memory_space<hbm>> -> memref<8x1024xf32, #tpu.memory_space<hbm>>
          %dma_wait3A_587 = tpu.memref_slice %run_scoped3A_7[%rem3A_580] : memref<2x!tpu.dma_semaphore, #tpu.memory_space<semaphore_mem>> -> memref<1x!tpu.dma_semaphore, #tpu.memory_space<semaphore_mem>>
          %dma_wait3A_588 = tpu.memref_squeeze %dma_wait3A_587 : memref<1x!tpu.dma_semaphore, #tpu.memory_space<semaphore_mem>> -> memref<!tpu.dma_semaphore, #tpu.memory_space<semaphore_mem>>
          %dma_wait3A_589 = arith.constant 0 : i32
          %dma_wait3A_590 = arith.constant 0 : i32
          %dma_wait3A_591 = tpu.memref_slice %run_scoped3A[%rem3A_580, %dma_wait3A_589, %dma_wait3A_590] : memref<2x8x1024xf32, #tpu.memory_space<vmem>> -> memref<1x8x1024xf32, #tpu.memory_space<vmem>>
          %dma_wait3A_592 = tpu.memref_squeeze %dma_wait3A_591 : memref<1x8x1024xf32, #tpu.memory_space<vmem>> -> memref<8x1024xf32, #tpu.memory_space<vmem>>
          %dma_wait3A_593 = arith.constant 0 : i32
          %dma_wait3A_594 = tpu.memref_slice %arg2[%mul3A_578, %dma_wait3A_593] : memref<8192x1024xf32, #tpu.memory_space<hbm>> -> memref<8x1024xf32, #tpu.memory_space<hbm>>
          tpu.wait_dma2 semaphore(%dma_wait3A_588 : memref<!tpu.dma_semaphore, #tpu.memory_space<semaphore_mem>>) src(%dma_wait3A_594 : memref<8x1024xf32, #tpu.memory_space<hbm>>) dst(%dma_wait3A_592 : memref<8x1024xf32, #tpu.memory_space<vmem>>)
          "tpu.trace_stop"() : () -> ()
        } else {
        }
        %add3A_368 = arith.constant 384 : i32
        %add3A_369 = arith.addi %add3A_368, %add3A_235 : i32
        %add3A_370 = arith.constant 384 : i32
        %add3A_371 = arith.addi %add3A_370, %add3A_253 : i32
        %ne3A_372 = arith.cmpi ne, %add3A_369, %add3A_371 : i32
        %or3A_373 = arith.constant false
        %or3A_374 = arith.ori %or3A_373, %ne3A_372 : i1
        %or3A_375 = arith.constant false
        %or3A_376 = arith.ori %or3A_374, %or3A_375 : i1
        %or3A_377 = arith.ori %or3A_376, %eq3A_230 : i1
        %convert_element_type3A_378 = arith.extui %or3A_377 : i1 to i32
        %cond3A_379 = arith.constant 0 : i32
        %cond3A_380 = arith.cmpi ne, %convert_element_type3A_378, %cond3A_379 : i32
        scf.if %cond3A_380 {
          "tpu.trace_start"() <{level = 10 : i32, message = "ep_wait_in"}> : () -> ()
          %add3A_572 = arith.constant 384 : i32
          %add3A_573 = arith.addi %add3A_572, %add3A_235 : i32
          %mul3A_574 = arith.constant 8 : i32
          %mul3A_575 = arith.muli %mul3A_574, %add3A_573 : i32
          %rem3A_576 = arith.constant 2 : i32
          %rem3A_577 = arith.remui %scan3A_224, %rem3A_576 : i32
          %dma_wait3A_578 = arith.constant 0 : i32
          %dma_wait3A_579 = arith.constant 0 : i32
          %dma_wait3A_580 = tpu.memref_slice %run_scoped3A_8[%rem3A_577, %dma_wait3A_578, %dma_wait3A_579] : memref<2x8x1024xf32, #tpu.memory_space<vmem>> -> memref<1x8x1024xf32, #tpu.memory_space<vmem>>
          %dma_wait3A_581 = tpu.memref_squeeze %dma_wait3A_580 : memref<1x8x1024xf32, #tpu.memory_space<vmem>> -> memref<8x1024xf32, #tpu.memory_space<vmem>>
          %dma_wait3A_582 = arith.constant 0 : i32
          %dma_wait3A_583 = tpu.memref_slice %arg3[%mul3A_575, %dma_wait3A_582] : memref<4096x1024xf32, #tpu.memory_space<hbm>> -> memref<8x1024xf32, #tpu.memory_space<hbm>>
          %dma_wait3A_584 = tpu.memref_slice %run_scoped3A_9[%rem3A_577] : memref<2x!tpu.dma_semaphore, #tpu.memory_space<semaphore_mem>> -> memref<1x!tpu.dma_semaphore, #tpu.memory_space<semaphore_mem>>
          %dma_wait3A_585 = tpu.memref_squeeze %dma_wait3A_584 : memref<1x!tpu.dma_semaphore, #tpu.memory_space<semaphore_mem>> -> memref<!tpu.dma_semaphore, #tpu.memory_space<semaphore_mem>>
          %dma_wait3A_586 = arith.constant 0 : i32
          %dma_wait3A_587 = arith.constant 0 : i32
          %dma_wait3A_588 = tpu.memref_slice %run_scoped3A_8[%rem3A_577, %dma_wait3A_586, %dma_wait3A_587] : memref<2x8x1024xf32, #tpu.memory_space<vmem>> -> memref<1x8x1024xf32, #tpu.memory_space<vmem>>
          %dma_wait3A_589 = tpu.memref_squeeze %dma_wait3A_588 : memref<1x8x1024xf32, #tpu.memory_space<vmem>> -> memref<8x1024xf32, #tpu.memory_space<vmem>>
          %dma_wait3A_590 = arith.constant 0 : i32
          %dma_wait3A_591 = tpu.memref_slice %arg3[%mul3A_575, %dma_wait3A_590] : memref<4096x1024xf32, #tpu.memory_space<hbm>> -> memref<8x1024xf32, #tpu.memory_space<hbm>>
          tpu.wait_dma2 semaphore(%dma_wait3A_585 : memref<!tpu.dma_semaphore, #tpu.memory_space<semaphore_mem>>) src(%dma_wait3A_591 : memref<8x1024xf32, #tpu.memory_space<hbm>>) dst(%dma_wait3A_589 : memref<8x1024xf32, #tpu.memory_space<vmem>>)
          "tpu.trace_stop"() : () -> ()
        } else {
        }
        %mul3A_381 = arith.constant 128 : i32
        %mul3A_382 = arith.muli %add3A_234, %mul3A_381 : i32
        %add3A_383 = arith.addi %mul3A_382, %add3A_235 : i32
        %mul3A_384 = arith.constant 128 : i32
        %mul3A_385 = arith.muli %add3A_252, %mul3A_384 : i32
        %add3A_386 = arith.addi %mul3A_385, %add3A_253 : i32
        %ne3A_387 = arith.cmpi ne, %add3A_383, %add3A_386 : i32
        %or3A_388 = arith.constant false
        %or3A_389 = arith.ori %or3A_388, %ne3A_387 : i1
        %or3A_390 = arith.constant false
        %or3A_391 = arith.ori %or3A_389, %or3A_390 : i1
        %or3A_392 = arith.ori %or3A_391, %eq3A_230 : i1
        %convert_element_type3A_393 = arith.extui %or3A_392 : i1 to i32
        %cond3A_394 = arith.constant 0 : i32
        %cond3A_395 = arith.cmpi ne, %convert_element_type3A_393, %cond3A_394 : i32
        scf.if %cond3A_395 {
        } else {
        }
        %rem3A_396 = arith.constant 2 : i32
        %rem3A_397 = arith.remui %scan3A_222, %rem3A_396 : i32
        %rem3A_398 = arith.constant 2 : i32
        %rem3A_399 = arith.remui %scan3A_224, %rem3A_398 : i32
        %rem3A_400 = arith.constant 2 : i32
        %rem3A_401 = arith.remui %scan3A_225, %rem3A_400 : i32
        "tpu.trace_start"() <{level = 10 : i32, message = "ep_run_kernel"}> : () -> ()
        %scan3A_402 = arith.constant 0 : i32
        %scan3A_403 = arith.constant 8 : i32
        %scan3A_404 = arith.addi %scan3A_402, %scan3A_403 : i32
        %scan3A_405 = arith.constant 1 : i32
        scf.for %scan3A_572 = %scan3A_402 to %scan3A_404 step %scan3A_405  : i32 {
          %mul3A_573 = arith.constant 1 : i32
          %mul3A_574 = arith.muli %scan3A_572, %mul3A_573 : i32
          %add3A_575 = arith.constant 0 : i32
          %add3A_576 = arith.addi %add3A_575, %mul3A_574 : i32
          %parallel_loop3A = arith.constant 0 : i32
          %parallel_loop3A_577 = arith.constant 1024 : i32
          %parallel_loop3A_578 = arith.constant 16 : i32
          scf.for %parallel_loop3A_579 = %parallel_loop3A to %parallel_loop3A_577 step %parallel_loop3A_578  : i32 {
            %parallel_loop3A_580 = arith.constant 0 : i32
            %parallel_loop3A_581 = arith.constant 0 : i32
            %parallel_loop3A_582 = tpu.memref_slice %run_scoped3A[%rem3A_397, %parallel_loop3A_580, %parallel_loop3A_581] : memref<2x8x1024xf32, #tpu.memory_space<vmem>> -> memref<1x8x1024xf32, #tpu.memory_space<vmem>>
            %parallel_loop3A_583 = tpu.memref_squeeze %parallel_loop3A_582 : memref<1x8x1024xf32, #tpu.memory_space<vmem>> -> memref<8x1024xf32, #tpu.memory_space<vmem>>
            %parallel_loop3A_584 = arith.index_cast %add3A_576 : i32 to index
            %parallel_loop3A_585 = arith.index_cast %parallel_loop3A_579 : i32 to index
            %parallel_loop3A_586 = tpu.vector_load %parallel_loop3A_583[%parallel_loop3A_584, %parallel_loop3A_585] {strides = array<i32>} : memref<8x1024xf32, #tpu.memory_space<vmem>>, vector<1x16xf32>,
            %parallel_loop3A_587 = vector.shape_cast %parallel_loop3A_586 : vector<1x16xf32> to vector<1x16xf32>
            %parallel_loop3A_588 = arith.constant 0 : i32
            %parallel_loop3A_589 = arith.constant 0 : i32
            %parallel_loop3A_590 = tpu.memref_slice %run_scoped3A_8[%rem3A_399, %parallel_loop3A_588, %parallel_loop3A_589] : memref<2x8x1024xf32, #tpu.memory_space<vmem>> -> memref<1x8x1024xf32, #tpu.memory_space<vmem>>
            %parallel_loop3A_591 = tpu.memref_squeeze %parallel_loop3A_590 : memref<1x8x1024xf32, #tpu.memory_space<vmem>> -> memref<8x1024xf32, #tpu.memory_space<vmem>>
            %parallel_loop3A_592 = arith.index_cast %add3A_576 : i32 to index
            %parallel_loop3A_593 = arith.index_cast %parallel_loop3A_579 : i32 to index
            %parallel_loop3A_594 = tpu.vector_load %parallel_loop3A_591[%parallel_loop3A_592, %parallel_loop3A_593] {strides = array<i32>} : memref<8x1024xf32, #tpu.memory_space<vmem>>, vector<1x16xf32>,
            %parallel_loop3A_595 = vector.shape_cast %parallel_loop3A_594 : vector<1x16xf32> to vector<1x16xf32>
            %parallel_loop3A_596 = arith.addf %parallel_loop3A_587, %parallel_loop3A_595 : vector<1x16xf32>
            %parallel_loop3A_597 = arith.constant 0 : i32
            %parallel_loop3A_598 = arith.constant 0 : i32
            %parallel_loop3A_599 = tpu.memref_slice %run_scoped3A_10[%rem3A_401, %parallel_loop3A_597, %parallel_loop3A_598] : memref<2x8x1024xf32, #tpu.memory_space<vmem>> -> memref<1x8x1024xf32, #tpu.memory_space<vmem>>
            %parallel_loop3A_600 = tpu.memref_squeeze %parallel_loop3A_599 : memref<1x8x1024xf32, #tpu.memory_space<vmem>> -> memref<8x1024xf32, #tpu.memory_space<vmem>>
            %parallel_loop3A_601 = arith.index_cast %add3A_576 : i32 to index
            %parallel_loop3A_602 = arith.index_cast %parallel_loop3A_579 : i32 to index
            %parallel_loop3A_603 = tpu.vector_load %parallel_loop3A_600[%parallel_loop3A_601, %parallel_loop3A_602] {strides = array<i32>} : memref<8x1024xf32, #tpu.memory_space<vmem>>, vector<1x16xf32>,
            %parallel_loop3A_604 = vector.shape_cast %parallel_loop3A_603 : vector<1x16xf32> to vector<1x16xf32>
            %parallel_loop3A_605 = vector.shape_cast %parallel_loop3A_596 : vector<1x16xf32> to vector<1x16xf32>
            tpu.vector_store %parallel_loop3A_600[%parallel_loop3A_601, %parallel_loop3A_602], %parallel_loop3A_605 {strides = array<i32>} : memref<8x1024xf32, #tpu.memory_space<vmem>>, vector<1x16xf32>,
          } {sc.loop_unroll_factor = 8 : i64, sc.parallel_access}
        }
        %scan3A_406 = arith.constant 8 : i32
        "tpu.trace_stop"() : () -> ()
        %mul3A_407 = arith.constant 512 : i32
        %mul3A_408 = arith.muli %add3A_234, %mul3A_407 : i32
        %add3A_409 = arith.constant 384 : i32
        %add3A_410 = arith.addi %mul3A_408, %add3A_409 : i32
        %add3A_411 = arith.addi %add3A_410, %add3A_235 : i32
        %mul3A_412 = arith.constant 512 : i32
        %mul3A_413 = arith.muli %add3A_270, %mul3A_412 : i32
        %add3A_414 = arith.constant 384 : i32
        %add3A_415 = arith.addi %mul3A_413, %add3A_414 : i32
        %add3A_416 = arith.addi %add3A_415, %add3A_271 : i32
        %ne3A_417 = arith.cmpi ne, %add3A_411, %add3A_416 : i32
        %or3A_418 = arith.constant false
        %or3A_419 = arith.ori %or3A_418, %ne3A_417 : i1
        %or3A_420 = arith.constant false
        %or3A_421 = arith.ori %or3A_419, %or3A_420 : i1
        %or3A_422 = arith.ori %or3A_421, %eq3A_232 : i1
        %convert_element_type3A_423 = arith.extui %or3A_422 : i1 to i32
        %cond3A_424 = arith.constant 0 : i32
        %cond3A_425 = arith.cmpi ne, %convert_element_type3A_423, %cond3A_424 : i32
        scf.if %cond3A_425 {
        } else {
        }
        %and3A_426 = arith.constant false
        %and3A_427 = arith.andi %or3A_422, %and3A_426 : i1
        %add3A_428 = arith.constant 384 : i32
        %add3A_429 = arith.addi %add3A_428, %add3A_235 : i32
        %add3A_430 = arith.constant 384 : i32
        %add3A_431 = arith.addi %add3A_430, %add3A_271 : i32
        %ne3A_432 = arith.cmpi ne, %add3A_429, %add3A_431 : i32
        %or3A_433 = arith.constant false
        %or3A_434 = arith.ori %or3A_433, %ne3A_432 : i1
        %or3A_435 = arith.constant false
        %or3A_436 = arith.ori %or3A_434, %or3A_435 : i1
        %or3A_437 = arith.ori %or3A_436, %eq3A_232 : i1
        %convert_element_type3A_438 = arith.extui %or3A_437 : i1 to i32
        %cond3A_439 = arith.constant 0 : i32
        %cond3A_440 = arith.cmpi ne, %convert_element_type3A_438, %cond3A_439 : i32
        scf.if %cond3A_440 {
        } else {
        }
        %and3A_441 = arith.constant false
        %and3A_442 = arith.andi %or3A_437, %and3A_441 : i1
        %mul3A_443 = arith.constant 128 : i32
        %mul3A_444 = arith.muli %add3A_234, %mul3A_443 : i32
        %add3A_445 = arith.addi %mul3A_444, %add3A_235 : i32
        %mul3A_446 = arith.constant 128 : i32
        %mul3A_447 = arith.muli %add3A_270, %mul3A_446 : i32
        %add3A_448 = arith.addi %mul3A_447, %add3A_271 : i32
        %ne3A_449 = arith.cmpi ne, %add3A_445, %add3A_448 : i32
        %or3A_450 = arith.constant false
        %or3A_451 = arith.ori %or3A_450, %ne3A_449 : i1
        %or3A_452 = arith.constant false
        %or3A_453 = arith.ori %or3A_451, %or3A_452 : i1
        %or3A_454 = arith.ori %or3A_453, %eq3A_232 : i1
        %convert_element_type3A_455 = arith.extui %or3A_454 : i1 to i32
        %cond3A_456 = arith.constant 0 : i32
        %cond3A_457 = arith.cmpi ne, %convert_element_type3A_455, %cond3A_456 : i32
        scf.if %cond3A_457 {
          "tpu.trace_start"() <{level = 10 : i32, message = "ep_copy_out"}> : () -> ()
          %rem3A_572 = arith.constant 2 : i32
          %rem3A_573 = arith.remui %scan3A_225, %rem3A_572 : i32
          %mul3A_574 = arith.constant 128 : i32
          %mul3A_575 = arith.muli %add3A_234, %mul3A_574 : i32
          %add3A_576 = arith.addi %mul3A_575, %add3A_235 : i32
          %mul3A_577 = arith.constant 8 : i32
          %mul3A_578 = arith.muli %mul3A_577, %add3A_576 : i32
          %dma_start3A_579 = arith.constant 0 : i32
          %dma_start3A_580 = arith.constant 0 : i32
          %dma_start3A_581 = tpu.memref_slice %run_scoped3A_10[%rem3A_573, %dma_start3A_579, %dma_start3A_580] : memref<2x8x1024xf32, #tpu.memory_space<vmem>> -> memref<1x8x1024xf32, #tpu.memory_space<vmem>>
          %dma_start3A_582 = tpu.memref_squeeze %dma_start3A_581 : memref<1x8x1024xf32, #tpu.memory_space<vmem>> -> memref<8x1024xf32, #tpu.memory_space<vmem>>
          %dma_start3A_583 = arith.constant 0 : i32
          %dma_start3A_584 = tpu.memref_slice %arg4[%mul3A_578, %dma_start3A_583] : memref<2048x1024xf32, #tpu.memory_space<hbm>> -> memref<8x1024xf32, #tpu.memory_space<hbm>>
          %dma_start3A_585 = tpu.memref_slice %run_scoped3A_11[%rem3A_573] : memref<2x!tpu.dma_semaphore, #tpu.memory_space<semaphore_mem>> -> memref<1x!tpu.dma_semaphore, #tpu.memory_space<semaphore_mem>>
          %dma_start3A_586 = tpu.memref_squeeze %dma_start3A_585 : memref<1x!tpu.dma_semaphore, #tpu.memory_space<semaphore_mem>> -> memref<!tpu.dma_semaphore, #tpu.memory_space<semaphore_mem>>
          %dma_start3A_587 = arith.constant 0 : i32
          %dma_start3A_588 = tpu.memref_slice %arg4[%mul3A_578, %dma_start3A_587] : memref<2048x1024xf32, #tpu.memory_space<hbm>> -> memref<8x1024xf32, #tpu.memory_space<hbm>>
          %dma_start3A_589 = arith.constant 0 : i32
          %dma_start3A_590 = arith.constant 0 : i32
          %dma_start3A_591 = tpu.memref_slice %run_scoped3A_10[%rem3A_573, %dma_start3A_589, %dma_start3A_590] : memref<2x8x1024xf32, #tpu.memory_space<vmem>> -> memref<1x8x1024xf32, #tpu.memory_space<vmem>>
          %dma_start3A_592 = tpu.memref_squeeze %dma_start3A_591 : memref<1x8x1024xf32, #tpu.memory_space<vmem>> -> memref<8x1024xf32, #tpu.memory_space<vmem>>
          tpu.enqueue_dma source(%dma_start3A_592 : memref<8x1024xf32, #tpu.memory_space<vmem>>) target(%dma_start3A_588 : memref<8x1024xf32, #tpu.memory_space<hbm>>) target_semaphore(%dma_start3A_586 : memref<!tpu.dma_semaphore, #tpu.memory_space<semaphore_mem>>)
          "tpu.trace_stop"() : () -> ()
        } else {
        }
        %and3A_458 = arith.constant true
        %and3A_459 = arith.andi %or3A_454, %and3A_458 : i1
        %add3A_460 = arith.constant 1 : i32
        %add3A_461 = arith.addi %scan3A_225, %add3A_460 : i32
        %select_n3A_462 = arith.select %and3A_459, %add3A_461, %scan3A_225 : i32
        %mul3A_463 = arith.constant 512 : i32
        %mul3A_464 = arith.muli %add3A_234, %mul3A_463 : i32
        %add3A_465 = arith.constant 384 : i32
        %add3A_466 = arith.addi %mul3A_464, %add3A_465 : i32
        %add3A_467 = arith.addi %add3A_466, %add3A_235 : i32
        %mul3A_468 = arith.constant 512 : i32
        %mul3A_469 = arith.muli %add3A_252, %mul3A_468 : i32
        %add3A_470 = arith.constant 384 : i32
        %add3A_471 = arith.addi %mul3A_469, %add3A_470 : i32
        %add3A_472 = arith.addi %add3A_471, %add3A_253 : i32
        %ne3A_473 = arith.cmpi ne, %add3A_467, %add3A_472 : i32
        %or3A_474 = arith.constant false
        %or3A_475 = arith.ori %or3A_474, %ne3A_473 : i1
        %or3A_476 = arith.constant false
        %or3A_477 = arith.ori %or3A_475, %or3A_476 : i1
        %not3A_478 = arith.constant true
        %not3A_479 = arith.xori %eq3A_230, %not3A_478 : i1
        %and3A_480 = arith.andi %or3A_477, %not3A_479 : i1
        %convert_element_type3A_481 = arith.extui %and3A_480 : i1 to i32
        %cond3A_482 = arith.constant 0 : i32
        %cond3A_483 = arith.cmpi ne, %convert_element_type3A_481, %cond3A_482 : i32
        scf.if %cond3A_483 {
        } else {
        }
        %and3A_484 = arith.constant false
        %and3A_485 = arith.andi %and3A_480, %and3A_484 : i1
        %add3A_486 = arith.constant 384 : i32
        %add3A_487 = arith.addi %add3A_486, %add3A_235 : i32
        %add3A_488 = arith.constant 384 : i32
        %add3A_489 = arith.addi %add3A_488, %add3A_253 : i32
        %ne3A_490 = arith.cmpi ne, %add3A_487, %add3A_489 : i32
        %or3A_491 = arith.constant false
        %or3A_492 = arith.ori %or3A_491, %ne3A_490 : i1
        %or3A_493 = arith.constant false
        %or3A_494 = arith.ori %or3A_492, %or3A_493 : i1
        %not3A_495 = arith.constant true
        %not3A_496 = arith.xori %eq3A_230, %not3A_495 : i1
        %and3A_497 = arith.andi %or3A_494, %not3A_496 : i1
        %convert_element_type3A_498 = arith.extui %and3A_497 : i1 to i32
        %cond3A_499 = arith.constant 0 : i32
        %cond3A_500 = arith.cmpi ne, %convert_element_type3A_498, %cond3A_499 : i32
        scf.if %cond3A_500 {
        } else {
        }
        %and3A_501 = arith.constant false
        %and3A_502 = arith.andi %and3A_497, %and3A_501 : i1
        %mul3A_503 = arith.constant 128 : i32
        %mul3A_504 = arith.muli %add3A_234, %mul3A_503 : i32
        %add3A_505 = arith.addi %mul3A_504, %add3A_235 : i32
        %mul3A_506 = arith.constant 128 : i32
        %mul3A_507 = arith.muli %add3A_252, %mul3A_506 : i32
        %add3A_508 = arith.addi %mul3A_507, %add3A_253 : i32
        %ne3A_509 = arith.cmpi ne, %add3A_505, %add3A_508 : i32
        %or3A_510 = arith.constant false
        %or3A_511 = arith.ori %or3A_510, %ne3A_509 : i1
        %or3A_512 = arith.constant false
        %or3A_513 = arith.ori %or3A_511, %or3A_512 : i1
        %not3A_514 = arith.constant true
        %not3A_515 = arith.xori %eq3A_230, %not3A_514 : i1
        %and3A_516 = arith.andi %or3A_513, %not3A_515 : i1
        %convert_element_type3A_517 = arith.extui %and3A_516 : i1 to i32
        %cond3A_518 = arith.constant 0 : i32
        %cond3A_519 = arith.cmpi ne, %convert_element_type3A_517, %cond3A_518 : i32
        scf.if %cond3A_519 {
          "tpu.trace_start"() <{level = 10 : i32, message = "ep_wait_out"}> : () -> ()
          %rem3A_572 = arith.constant 2 : i32
          %rem3A_573 = arith.remui %scan3A_226, %rem3A_572 : i32
          %mul3A_574 = arith.constant 128 : i32
          %mul3A_575 = arith.muli %add3A_252, %mul3A_574 : i32
          %add3A_576 = arith.addi %mul3A_575, %add3A_253 : i32
          %mul3A_577 = arith.constant 8 : i32
          %mul3A_578 = arith.muli %mul3A_577, %add3A_576 : i32
          %dma_wait3A_579 = arith.constant 0 : i32
          %dma_wait3A_580 = arith.constant 0 : i32
          %dma_wait3A_581 = tpu.memref_slice %run_scoped3A_10[%rem3A_573, %dma_wait3A_579, %dma_wait3A_580] : memref<2x8x1024xf32, #tpu.memory_space<vmem>> -> memref<1x8x1024xf32, #tpu.memory_space<vmem>>
          %dma_wait3A_582 = tpu.memref_squeeze %dma_wait3A_581 : memref<1x8x1024xf32, #tpu.memory_space<vmem>> -> memref<8x1024xf32, #tpu.memory_space<vmem>>
          %dma_wait3A_583 = arith.constant 0 : i32
          %dma_wait3A_584 = tpu.memref_slice %arg4[%mul3A_578, %dma_wait3A_583] : memref<2048x1024xf32, #tpu.memory_space<hbm>> -> memref<8x1024xf32, #tpu.memory_space<hbm>>
          %dma_wait3A_585 = tpu.memref_slice %run_scoped3A_11[%rem3A_573] : memref<2x!tpu.dma_semaphore, #tpu.memory_space<semaphore_mem>> -> memref<1x!tpu.dma_semaphore, #tpu.memory_space<semaphore_mem>>
          %dma_wait3A_586 = tpu.memref_squeeze %dma_wait3A_585 : memref<1x!tpu.dma_semaphore, #tpu.memory_space<semaphore_mem>> -> memref<!tpu.dma_semaphore, #tpu.memory_space<semaphore_mem>>
          %dma_wait3A_587 = arith.constant 0 : i32
          %dma_wait3A_588 = tpu.memref_slice %arg4[%mul3A_578, %dma_wait3A_587] : memref<2048x1024xf32, #tpu.memory_space<hbm>> -> memref<8x1024xf32, #tpu.memory_space<hbm>>
          %dma_wait3A_589 = arith.constant 0 : i32
          %dma_wait3A_590 = arith.constant 0 : i32
          %dma_wait3A_591 = tpu.memref_slice %run_scoped3A_10[%rem3A_573, %dma_wait3A_589, %dma_wait3A_590] : memref<2x8x1024xf32, #tpu.memory_space<vmem>> -> memref<1x8x1024xf32, #tpu.memory_space<vmem>>
          %dma_wait3A_592 = tpu.memref_squeeze %dma_wait3A_591 : memref<1x8x1024xf32, #tpu.memory_space<vmem>> -> memref<8x1024xf32, #tpu.memory_space<vmem>>
          tpu.wait_dma2 semaphore(%dma_wait3A_586 : memref<!tpu.dma_semaphore, #tpu.memory_space<semaphore_mem>>) src(%dma_wait3A_592 : memref<8x1024xf32, #tpu.memory_space<vmem>>) dst(%dma_wait3A_588 : memref<8x1024xf32, #tpu.memory_space<hbm>>)
          "tpu.trace_stop"() : () -> ()
        } else {
        }
        %and3A_520 = arith.constant true
        %and3A_521 = arith.andi %and3A_516, %and3A_520 : i1
        %add3A_522 = arith.constant 1 : i32
        %add3A_523 = arith.addi %scan3A_226, %add3A_522 : i32
        %select_n3A_524 = arith.select %and3A_521, %add3A_523, %scan3A_226 : i32
        %mul3A_525 = arith.constant 512 : i32
        %mul3A_526 = arith.muli %add3A_234, %mul3A_525 : i32
        %add3A_527 = arith.constant 384 : i32
        %add3A_528 = arith.addi %mul3A_526, %add3A_527 : i32
        %add3A_529 = arith.addi %add3A_528, %add3A_235 : i32
        %mul3A_530 = arith.constant 512 : i32
        %mul3A_531 = arith.muli %add3A_270, %mul3A_530 : i32
        %add3A_532 = arith.constant 384 : i32
        %add3A_533 = arith.addi %mul3A_531, %add3A_532 : i32
        %add3A_534 = arith.addi %add3A_533, %add3A_271 : i32
        %ne3A_535 = arith.cmpi ne, %add3A_529, %add3A_534 : i32
        %or3A_536 = arith.constant false
        %or3A_537 = arith.ori %or3A_536, %ne3A_535 : i1
        %or3A_538 = arith.constant false
        %or3A_539 = arith.ori %or3A_537, %or3A_538 : i1
        %or3A_540 = arith.ori %or3A_539, %eq3A_232 : i1
        %add3A_541 = arith.constant 1 : i32
        %add3A_542 = arith.addi %scan3A_222, %add3A_541 : i32
        %select_n3A_543 = arith.select %or3A_540, %add3A_542, %scan3A_222 : i32
        %add3A_544 = arith.constant 384 : i32
        %add3A_545 = arith.addi %add3A_544, %add3A_235 : i32
        %add3A_546 = arith.constant 384 : i32
        %add3A_547 = arith.addi %add3A_546, %add3A_271 : i32
        %ne3A_548 = arith.cmpi ne, %add3A_545, %add3A_547 : i32
        %or3A_549 = arith.constant false
        %or3A_550 = arith.ori %or3A_549, %ne3A_548 : i1
        %or3A_551 = arith.constant false
        %or3A_552 = arith.ori %or3A_550, %or3A_551 : i1
        %or3A_553 = arith.ori %or3A_552, %eq3A_232 : i1
        %add3A_554 = arith.constant 1 : i32
        %add3A_555 = arith.addi %scan3A_224, %add3A_554 : i32
        %select_n3A_556 = arith.select %or3A_553, %add3A_555, %scan3A_224 : i32
        %add3A_557 = arith.constant 1 : i32
        %add3A_558 = arith.addi %scan3A_228, %add3A_557 : i32
        %select_n3A_559 = arith.constant true
        %select_n3A_560 = arith.select %select_n3A_559, %add3A_558, %scan3A_228 : i32
        %eq3A_561 = arith.constant 4 : i32
        %eq3A_562 = arith.cmpi eq, %select_n3A_560, %eq3A_561 : i32
        %select_n3A_563 = arith.constant 0 : i32
        %select_n3A_564 = arith.select %eq3A_562, %select_n3A_563, %select_n3A_560 : i32
        %add3A_565 = arith.constant 1 : i32
        %add3A_566 = arith.addi %scan3A_227, %add3A_565 : i32
        %select_n3A_567 = arith.select %eq3A_562, %add3A_566, %scan3A_227 : i32
        %eq3A_568 = arith.constant 2 : i32
        %eq3A_569 = arith.cmpi eq, %select_n3A_567, %eq3A_568 : i32
        %select_n3A_570 = arith.constant 0 : i32
        %select_n3A_571 = arith.select %eq3A_569, %select_n3A_570, %select_n3A_567 : i32
        scf.yield %select_n3A_310, %select_n3A_543, %select_n3A_332, %select_n3A_556, %select_n3A_462, %select_n3A_524, %select_n3A_571, %select_n3A_564 : i32, i32, i32, i32, i32, i32, i32, i32
      }
      %scan3A_128 = arith.constant 8 : i32
      %sub3A = arith.constant 1 : i32
      %sub3A_129 = arith.subi %scan3A_127#7, %sub3A : i32
      %select_n3A_130 = arith.constant true
      %select_n3A_131 = arith.select %select_n3A_130, %sub3A_129, %scan3A_127#7 : i32
      %eq3A_132 = arith.constant -1 : i32
      %eq3A_133 = arith.cmpi eq, %select_n3A_131, %eq3A_132 : i32
      %select_n3A_134 = arith.constant 3 : i32
      %select_n3A_135 = arith.select %eq3A_133, %select_n3A_134, %select_n3A_131 : i32
      %sub3A_136 = arith.constant 1 : i32
      %sub3A_137 = arith.subi %scan3A_127#6, %sub3A_136 : i32
      %select_n3A_138 = arith.select %eq3A_133, %sub3A_137, %scan3A_127#6 : i32
      %eq3A_139 = arith.constant -1 : i32
      %eq3A_140 = arith.cmpi eq, %select_n3A_138, %eq3A_139 : i32
      %select_n3A_141 = arith.constant 1 : i32
      %select_n3A_142 = arith.select %eq3A_140, %select_n3A_141, %select_n3A_138 : i32
      %add3A_143 = arith.constant 0 : i32
      %add3A_144 = arith.addi %select_n3A_142, %add3A_143 : i32
      %add3A_145 = arith.addi %select_n3A_135, %mul3A_6 : i32
      %sub3A_146 = arith.constant 1 : i32
      %sub3A_147 = arith.subi %select_n3A_135, %sub3A_146 : i32
      %select_n3A_148 = arith.constant true
      %select_n3A_149 = arith.select %select_n3A_148, %sub3A_147, %select_n3A_135 : i32
      %eq3A_150 = arith.constant -1 : i32
      %eq3A_151 = arith.cmpi eq, %select_n3A_149, %eq3A_150 : i32
      %select_n3A_152 = arith.constant 3 : i32
      %select_n3A_153 = arith.select %eq3A_151, %select_n3A_152, %select_n3A_149 : i32
      %sub3A_154 = arith.constant 1 : i32
      %sub3A_155 = arith.subi %select_n3A_142, %sub3A_154 : i32
      %select_n3A_156 = arith.select %eq3A_151, %sub3A_155, %select_n3A_142 : i32
      %eq3A_157 = arith.constant -1 : i32
      %eq3A_158 = arith.cmpi eq, %select_n3A_156, %eq3A_157 : i32
      %select_n3A_159 = arith.constant 1 : i32
      %select_n3A_160 = arith.select %eq3A_158, %select_n3A_159, %select_n3A_156 : i32
      %add3A_161 = arith.constant 0 : i32
      %add3A_162 = arith.addi %select_n3A_160, %add3A_161 : i32
      %add3A_163 = arith.addi %select_n3A_153, %mul3A_6 : i32
      %add3A_164 = arith.constant 1 : i32
      %add3A_165 = arith.addi %select_n3A_135, %add3A_164 : i32
      %select_n3A_166 = arith.constant true
      %select_n3A_167 = arith.select %select_n3A_166, %add3A_165, %select_n3A_135 : i32
      %eq3A_168 = arith.constant 4 : i32
      %eq3A_169 = arith.cmpi eq, %select_n3A_167, %eq3A_168 : i32
      %select_n3A_170 = arith.constant 0 : i32
      %select_n3A_171 = arith.select %eq3A_169, %select_n3A_170, %select_n3A_167 : i32
      %add3A_172 = arith.constant 1 : i32
      %add3A_173 = arith.addi %select_n3A_142, %add3A_172 : i32
      %select_n3A_174 = arith.select %eq3A_169, %add3A_173, %select_n3A_142 : i32
      %eq3A_175 = arith.constant 2 : i32
      %eq3A_176 = arith.cmpi eq, %select_n3A_174, %eq3A_175 : i32
      %select_n3A_177 = arith.constant 0 : i32
      %select_n3A_178 = arith.select %eq3A_176, %select_n3A_177, %select_n3A_174 : i32
      %add3A_179 = arith.constant 0 : i32
      %add3A_180 = arith.addi %select_n3A_178, %add3A_179 : i32
      %add3A_181 = arith.addi %select_n3A_171, %mul3A_6 : i32
      %add3A_182 = arith.constant 1 : i32
      %add3A_183 = arith.addi %select_n3A_171, %add3A_182 : i32
      %select_n3A_184 = arith.constant true
      %select_n3A_185 = arith.select %select_n3A_184, %add3A_183, %select_n3A_171 : i32
      %eq3A_186 = arith.constant 4 : i32
      %eq3A_187 = arith.cmpi eq, %select_n3A_185, %eq3A_186 : i32
      %select_n3A_188 = arith.constant 0 : i32
      %select_n3A_189 = arith.select %eq3A_187, %select_n3A_188, %select_n3A_185 : i32
      %add3A_190 = arith.constant 1 : i32
      %add3A_191 = arith.addi %select_n3A_178, %add3A_190 : i32
      %select_n3A_192 = arith.select %eq3A_187, %add3A_191, %select_n3A_178 : i32
      %eq3A_193 = arith.constant 2 : i32
      %eq3A_194 = arith.cmpi eq, %select_n3A_192, %eq3A_193 : i32
      %select_n3A_195 = arith.constant 0 : i32
      %select_n3A_196 = arith.select %eq3A_194, %select_n3A_195, %select_n3A_192 : i32
      %add3A_197 = arith.constant 0 : i32
      %add3A_198 = arith.addi %select_n3A_196, %add3A_197 : i32
      %add3A_199 = arith.addi %select_n3A_189, %mul3A_6 : i32
      "tpu.trace_start"() <{level = 10 : i32, message = "ep_finalize"}> : () -> ()
      %rem3A_200 = arith.constant 2 : i32
      %rem3A_201 = arith.remui %scan3A_127#5, %rem3A_200 : i32
      %mul3A_202 = arith.constant 128 : i32
      %mul3A_203 = arith.muli %add3A_144, %mul3A_202 : i32
      %add3A_204 = arith.addi %mul3A_203, %add3A_145 : i32
      %mul3A_205 = arith.constant 8 : i32
      %mul3A_206 = arith.muli %mul3A_205, %add3A_204 : i32
      %dma_wait3A = arith.constant 0 : i32
      %dma_wait3A_207 = arith.constant 0 : i32
      %dma_wait3A_208 = tpu.memref_slice %run_scoped3A_10[%rem3A_201, %dma_wait3A, %dma_wait3A_207] : memref<2x8x1024xf32, #tpu.memory_space<vmem>> -> memref<1x8x1024xf32, #tpu.memory_space<vmem>>
      %dma_wait3A_209 = tpu.memref_squeeze %dma_wait3A_208 : memref<1x8x1024xf32, #tpu.memory_space<vmem>> -> memref<8x1024xf32, #tpu.memory_space<vmem>>
      %dma_wait3A_210 = arith.constant 0 : i32
      %dma_wait3A_211 = tpu.memref_slice %arg4[%mul3A_206, %dma_wait3A_210] : memref<2048x1024xf32, #tpu.memory_space<hbm>> -> memref<8x1024xf32, #tpu.memory_space<hbm>>
      %dma_wait3A_212 = tpu.memref_slice %run_scoped3A_11[%rem3A_201] : memref<2x!tpu.dma_semaphore, #tpu.memory_space<semaphore_mem>> -> memref<1x!tpu.dma_semaphore, #tpu.memory_space<semaphore_mem>>
      %dma_wait3A_213 = tpu.memref_squeeze %dma_wait3A_212 : memref<1x!tpu.dma_semaphore, #tpu.memory_space<semaphore_mem>> -> memref<!tpu.dma_semaphore, #tpu.memory_space<semaphore_mem>>
      %dma_wait3A_214 = arith.constant 0 : i32
      %dma_wait3A_215 = tpu.memref_slice %arg4[%mul3A_206, %dma_wait3A_214] : memref<2048x1024xf32, #tpu.memory_space<hbm>> -> memref<8x1024xf32, #tpu.memory_space<hbm>>
      %dma_wait3A_216 = arith.constant 0 : i32
      %dma_wait3A_217 = arith.constant 0 : i32
      %dma_wait3A_218 = tpu.memref_slice %run_scoped3A_10[%rem3A_201, %dma_wait3A_216, %dma_wait3A_217] : memref<2x8x1024xf32, #tpu.memory_space<vmem>> -> memref<1x8x1024xf32, #tpu.memory_space<vmem>>
      %dma_wait3A_219 = tpu.memref_squeeze %dma_wait3A_218 : memref<1x8x1024xf32, #tpu.memory_space<vmem>> -> memref<8x1024xf32, #tpu.memory_space<vmem>>
      tpu.wait_dma2 semaphore(%dma_wait3A_213 : memref<!tpu.dma_semaphore, #tpu.memory_space<semaphore_mem>>) src(%dma_wait3A_219 : memref<8x1024xf32, #tpu.memory_space<vmem>>) dst(%dma_wait3A_215 : memref<8x1024xf32, #tpu.memory_space<hbm>>)
      "tpu.trace_stop"() : () -> ()
      tpu.yield
    }) : () -> ()
    return
  }
}

module attributes {stable_mosaic.version = 14 : i64} {
  func.func @_tc_body(%arg0: i32, %arg1: memref<2x512x1024xf32, #tpu.memory_space<vmem>>, %arg2: memref<512x1024xf32, #tpu.memory_space<vmem>>, %arg3: memref<2x512x1024xf32, #tpu.memory_space<vmem>>) attributes {dimension_semantics = [#tpu.dimension_semantics<arbitrary>], iteration_bounds = array<i64: 6>, scalar_prefetch = 0 : i64, scratch_operands = 0 : i64, tpu.core_type = #tpu.core_type<tc>, window_params = [{transform_indices = @transform_0, window_bounds = array<i64: 2, 512, 1024>}, {transform_indices = @transform_1, window_bounds = array<i64: 512, 1024>}, {transform_indices = @transform_2, window_bounds = array<i64: 2, 512, 1024>}]} {
    %get3A = arith.constant 0 : index
    %get3A_0 = arith.constant 0 : index
    %get3A_1 = arith.constant 0 : index
    %get3A_2 = vector.load %arg1[%get3A, %get3A_0, %get3A_1] : memref<2x512x1024xf32, #tpu.memory_space<vmem>>, vector<2x512x1024xf32>
    %get3A_3 = arith.constant 0 : index
    %get3A_4 = arith.constant 0 : index
    %get3A_5 = vector.load %arg2[%get3A_3, %get3A_4] : memref<512x1024xf32, #tpu.memory_space<vmem>>, vector<512x1024xf32>
    %broadcast_in_dim3A = vector.shape_cast %get3A_5 : vector<512x1024xf32> to vector<1x512x1024xf32>
    %add3A = vector.broadcast %broadcast_in_dim3A : vector<1x512x1024xf32> to vector<2x512x1024xf32>
    %add3A_6 = arith.addf %get3A_2, %add3A : vector<2x512x1024xf32>
    %swap3A = arith.constant 0 : index
    %swap3A_7 = arith.constant 0 : index
    %swap3A_8 = arith.constant 0 : index
    %swap3A_9 = vector.load %arg3[%swap3A, %swap3A_7, %swap3A_8] : memref<2x512x1024xf32, #tpu.memory_space<vmem>>, vector<2x512x1024xf32>
    tpu.vector_store %arg3[%swap3A, %swap3A_7, %swap3A_8], %add3A_6 {strides = array<i32>} : memref<2x512x1024xf32, #tpu.memory_space<vmem>>, vector<2x512x1024xf32>,
    return
  }
  func.func @transform_0(%arg0: i32) -> (i32, i32, i32) {
    %c0_i32 = arith.constant 0 : i32
    %c0_i32_0 = arith.constant 0 : i32
    %c0_i32_1 = arith.constant 0 : i32
    return %c0_i32, %arg0, %c0_i32_0 : i32, i32, i32
  }
  func.func @transform_1(%arg0: i32) -> (i32, i32) {
    %c0_i32 = arith.constant 0 : i32
    %c0_i32_0 = arith.constant 0 : i32
    return %arg0, %c0_i32 : i32, i32
  }
  func.func @transform_2(%arg0: i32) -> (i32, i32, i32) {
    %c0_i32 = arith.constant 0 : i32
    %c0_i32_0 = arith.constant 0 : i32
    %c0_i32_1 = arith.constant 0 : i32
    return %c0_i32, %arg0, %c0_i32_0 : i32, i32, i32
  }
}

</mosaic_0001>

<sc_bundles>
// kernel: kernel.4.cloned.1.call-start
scs
__scs_entry_jumppad:
0x0: {  	(pc) =	sbr.rel $0x88, $3  }
0x1: {  	(tag) =	ssettag $0x0;
	lr =	simm.s32 $0x1  }
0x2: {  	[smem:$0x3F9F] =	sst lr;
	_ =	strace $0xD0000000  }
0x3: {  	_ = 	snop  }
0x4: {  	_ = 	snop  }
0x5: {  	_ = 	snop  }
0x6: {  	_ = 	snop  }
0x7: {  	_ = 	snop  }
__scs_overlays_trampoline_lowered:
0x8: {  	[smem:$0x3FAE] =	sst s0  }
0x9: {  	[smem:$0x3FAF] =	sst s1  }
0xa: {  	[smem:$0x3FB0] =	sst s2  }
0xb: {  	[smem:$0x3FB1] =	sst s3  }
0xc: {  	[smem:$0x3FB2] =	sst s4  }
0xd: {  	[smem:$0x3FB3] =	sst s5  }
0xe: {  	[smem:$0x3FB4] =	sst s6  }
0xf: {  	[smem:$0x3FB5] =	sst s7  }
0x10: {  	[smem:$0x3FB6] =	sst s8  }
0x11: {  	[smem:$0x3FB7] =	sst s9;
	s0 =	simm.s32 @!p0 $0x0  }
0x12: {  	s1 =	sld [smem:$0x3F9D];
	s0 =	simm.s32 @p0 $0x1  }
0x13: {  	[smem:$0x3FB8] =	sst s0;
	s0 =	simm.s32 @!p1 $0x0  }
0x14: {  	s2 =	sld [smem:$0x3F9C];
	s0 =	simm.s32 @p1 $0x1  }
0x15: {  	[smem:$0x3FB9] =	sst s0;
	s0 =	simm.s32 @!p2 $0x0  }
0x16: {  	s3 =	sld [smem:$0x3FDB];
	s0 =	simm.s32 @p2 $0x1  }
0x17: {  	s4 =	simm.s32 $0x1BF5;
	[smem:$0x3FBB] =	sst s0  }
0x18: {  	s0 =	sld [smem:$0x3F9E];
	_ =	swait.ge [sflag:s4], $0x0  }
0x19: {  	s7 =	sld [smem:$0x3F9F]  }
0x1a: {  	s8 =	sadd.s32 $0xFFFFE003, lr  }
0x1b: {  	s9 =	sadd.s32 $0xFFFFFEF7, lr;
	s5 =	simm.s32 $0xFFFFFFFF;
	p2 =	slt.u32 s8, $0xFFFFF086  }
0x1c: {  	p1 =	slt.u32 s9, $0xF7A;
	s5 =	simm.s32 @!p2 $0x0  }
0x1d: {  	s5 =	simm.s32 @p1 $0x1;
	p0 =	seq.s32 s7, s2  }
0x1e: {  	s7 =	smul.u32 @!p0 $0xF7A, s2;
	p2 =	seq.s32 @!p0 s5, $0x0  }
0x1f: {  	s9 =	smul.u32 $0xF7A, s1;
	s8 =	simm.s32 @!p0 $0x1BF5;
	p2 =	por !p2, p0  }
0x20: {  	[sflag:s8] =	ssyncset.s32 @!p0 $0xFFFFF086;
	s6 =	sadd.s32 @!p0 s3, s7;
	s7 =	simm.s32 @!p0 $0x108  }
0x21: {  	s3 =	sadd.s32 s3, s9;
	s6 =	sadd.s32 @!p0 $0x88, s6;
	s7 =	simm.s32 @p2 $0x1082  }
0x22: {  	[simem:s7], [sflag:s8] =	dma.local @!p0 [hbm:s6], $0xF7A  }
0x23: {  	s9 =	sor.u32 $0xD0000000, s2;
	s6 =	simm.s32 $0x108;
	_ =	swait.ge @!p0 [sflag:s8], $0x0  }
0x24: {  	s3 =	sadd.s32 $0x88, s3;
	s6 =	simm.s32 @!p1 $0x1082;
	[sflag:s4] =	ssyncset.s32 $0xFFFFF086  }
0x25: {  	[simem:s6], [sflag:s4] =	dma.local [hbm:s3], $0xF7A  }
0x26: {  	[smem:$0x3F9F] =	sst s1;
	(tag) =	ssettag s2;
	_ =	strace s9  }
0x27: {  	s1 =	sld [smem:$0x3FAF]  }
0x28: {  	s2 =	sld [smem:$0x3FB0]  }
0x29: {  	s4 =	sld [smem:$0x3FB2]  }
0x2a: {  	p0 =	seq.s32 s5, $0x0;
	s5 =	sld [smem:$0x3FB3]  }
0x2b: {  	s6 =	sld [smem:$0x3FB4]  }
0x2c: {  	s7 =	sld [smem:$0x3FB5]  }
0x2d: {  	s3 =	simm.s32 $0x108;
	s8 =	sld [smem:$0x3FB6]  }
0x2e: {  	s3 =	simm.s32 @!p0 $0x1082;
	s9 =	sld [smem:$0x3FB7]  }
0x2f: {  	lr =	sadd.s32 s0, s3;
	s0 =	sld [smem:$0x3FAE]  }
0x30: {  	s3 =	sld [smem:$0x3FB1]  }
0x31: {  	[smem:$0x3FBA] =	sst s10  }
0x32: {  	s10 =	sld [smem:$0x3FB8];
	_ =	sdelay $0x3  }
0x33: {  	p0 =	seq.s32 s10, $0x1;
	s10 =	sld [smem:$0x3FBA];
	_ =	sdelay $0x3  }
0x34: {  	[smem:$0x3FBA] =	sst s10  }
0x35: {  	s10 =	sld [smem:$0x3FB9];
	_ =	sdelay $0x3  }
0x36: {  	p1 =	seq.s32 s10, $0x1;
	s10 =	sld [smem:$0x3FBA];
	_ =	sdelay $0x3  }
0x37: {  	[smem:$0x3FBA] =	sst s10  }
0x38: {  	s10 =	sld [smem:$0x3FBB]  }
0x39: {  	_ = 	snop;
	(pc) =	sbr.ind lr, $3  }
0x3a: {  	_ = 	snop  }
0x3b: {  	_ = 	snop  }
0x3c: {  	p2 =	seq.s32 s10, $0x1;
	s10 =	sld [smem:$0x3FBA]  }
0x3d: {  	_ =	shalt  }
0x3e: {  	_ =	shalt  }
0x3f: {  	_ =	shalt  }
0x40: {  	_ =	shalt  }
0x41: {  	_ =	shalt  }
0x42: {  	_ =	shalt  }
0x43: {  	_ =	shalt  }
0x44: {  	_ =	shalt  }
0x45: {  	_ =	shalt  }
0x46: {  	_ =	shalt  }
0x47: {  	_ =	shalt  }
0x48: {  	_ =	shalt  }
0x49: {  	_ =	shalt  }
0x4a: {  	_ =	shalt  }
0x4b: {  	_ =	shalt  }
0x4c: {  	_ =	shalt  }
0x4d: {  	_ =	shalt  }
0x4e: {  	_ =	shalt  }
0x4f: {  	_ =	shalt  }
0x50: {  	_ =	shalt  }
0x51: {  	_ =	shalt  }
0x52: {  	_ =	shalt  }
0x53: {  	_ =	shalt  }
0x54: {  	_ =	shalt  }
0x55: {  	_ =	shalt  }
0x56: {  	_ =	shalt  }
0x57: {  	_ =	shalt  }
0x58: {  	_ =	shalt  }
0x59: {  	_ =	shalt  }
0x5a: {  	_ =	shalt  }
0x5b: {  	_ =	shalt  }
0x5c: {  	_ =	shalt  }
0x5d: {  	_ =	shalt  }
0x5e: {  	_ =	shalt  }
0x5f: {  	_ =	shalt  }
0x60: {  	_ =	shalt  }
0x61: {  	_ =	shalt  }
0x62: {  	_ =	shalt  }
0x63: {  	_ =	shalt  }
0x64: {  	_ =	shalt  }
0x65: {  	_ =	shalt  }
0x66: {  	_ =	shalt  }
0x67: {  	_ =	shalt  }
0x68: {  	_ =	shalt  }
0x69: {  	_ =	shalt  }
0x6a: {  	_ =	shalt  }
0x6b: {  	_ =	shalt  }
0x6c: {  	_ =	shalt  }
0x6d: {  	_ =	shalt  }
0x6e: {  	_ =	shalt  }
0x6f: {  	_ =	shalt  }
0x70: {  	_ =	shalt  }
0x71: {  	_ =	shalt  }
0x72: {  	_ =	shalt  }
0x73: {  	_ =	shalt  }
0x74: {  	_ =	shalt  }
0x75: {  	_ =	shalt  }
0x76: {  	_ =	shalt  }
0x77: {  	_ =	shalt  }
0x78: {  	_ =	shalt  }
0x79: {  	_ =	shalt  }
0x7a: {  	_ =	shalt  }
0x7b: {  	_ =	shalt  }
0x7c: {  	_ =	shalt  }
0x7d: {  	_ =	shalt  }
0x7e: {  	_ =	shalt  }
0x7f: {  	_ =	shalt  }
0x80: {  	_ =	shalt  }
0x81: {  	_ =	shalt  }
0x82: {  	_ =	shalt  }
0x83: {  	_ =	shalt  }
0x84: {  	_ =	shalt  }
0x85: {  	_ =	shalt  }
0x86: {  	_ =	shalt  }
0x87: {  	_ =	shalt  }
.Lfunc_end0:
.L_simem_size_0:
called_computation_lowered:
.L_overlay_start_0:
0x88: {  	s2 =	sld [smem:$0x3FD9]  }
0x89: {  	s3 =	sld [smem:$0x3FFE];
	_ =	sdelay $0x1  }
0x8a: {  	s1 =	srdreg.scid  }
0x8b: {  	s0 =	sand.u32 $0x1, s1  }
0x8c: {  	s17 =	sshll.u32 s0, $0xA;
	s2 =	sadd.s32 s3, s2  }
0x8d: {  	s2 =	sadd.s32 s2, s17  }
0x8e: {  	[smem:$0x3FC6] =	sst s2  }
0x8f: {  	_ = 	snop  }
0x90: {  	s2 =	sld [smem:$0x3FC9]  }
0x91: {  	s18 =	sld [smem:$0x3FC8];
	(tm) =	ssettm $0x1  }
0x92: {  	s4 =	sld [smem:$0x3FFB];
	_ =	sdelay $0x3  }
0x93: {  	_ =	strace s4  }
0x94: {  	s4 =	sld [smem:$0x3FFC];
	_ =	sdelay $0x3  }
0x95: {  	_ =	strace s4  }
0x96: {  	s4 =	sld [smem:$0x3FFD];
	_ =	sdelay $0x3  }
0x97: {  	_ =	strace s4  }
0x98: {  	_ =	strace $0x8FFFFFFF  }
0x99: {  	s19 =	sld [smem:$0x3FDB];
	_ =	sdelay $0x1  }
0x9a: {  	s5 =	simm.s32 $_scs_section_size  }
0x9b: {  	s6 =	simm.s32 $_size__tile_overlayer_lowered;
	s7 =	simm.s32 $_tile_overlayer_lowered  }
0x9c: {  	s22 =	simm.s32 $0x1BFF;
	s21 =	sshll.u32 s7, $0x1;
	s4 =	sadd.s32 s5, s19  }
0x9d: {  	s8 =	simm.s32 $0x0;
	s20 =	sshll.u32 s6, $0x1;
	s6 =	sadd.s32 s21, s4  }
0x9e: {  	[timem:s8], [sflag:s22] =	dma.local [hbm:s6], s20  }
0x9f: {  	_ =	swait.ge [sflag:s22], s20  }
0xa0: {  	s5 =	ssub.s32 $0x0, s20;
	[sflag:s22] =	ssyncset.done $0x0  }
0xa1: {  	[sflag:s22] =	ssyncadd.s32 s5;
	_ =	sdelay $0x1  }
0xa2: {  	s23 =	simm.s32 $0x1B8B  }
0xa3: {  	_ =	swait.ge [sflag:s23], $0x1  }
0xa4: {  	[sflag:s23] =	ssyncset.done $0x0  }
0xa5: {  	s25 =	simm.s32 $0x1B8E;
	s24 =	sld [smem:$0x3FFE];
	[sflag:s23] =	ssyncadd.s32 $0xFFFFFFFF  }
0xa6: {  	s26 =	simm.s32 $execute0_lowered;
	[smem:$0x3FD2] =	sst s25  }
0xa7: {  	s6 =	sshll.u32 s26, $0x1;
	_ =	strace $0x80000046;
	[dreg:$0x1] =	wrdreg $0xFFFFFFFF  }
0xa8: {  	s28 =	simm.s32 $_size_execute0_lowered;
	s4 =	sadd.s32 s4, s6;
	[dreg:$0x0] =	wrdreg $0x0  }
0xa9: {  	s6 =	sshll.u32 s28, $0x1;
	[dreg:$0x2] =	wrdreg s4  }
0xaa: {  	[dreg:$0x3] =	wrdreg s6  }
0xab: {  	[dreg:$0x4] =	wrdreg $0xC0  }
0xac: {  	_ =	task [dreg:s8], $0x5FFFF  }
0xad: {  	[dreg:$0x1] =	wrdreg $0xFFFFFFFF  }
0xae: {  	[dreg:$0x0] =	wrdreg $0x60  }
0xaf: {  	[dreg:$0x2] =	wrdreg s2  }
0xb0: {  	[dreg:$0x3] =	wrdreg s18  }
0xb1: {  	[dreg:$0x4] =	wrdreg s24  }
0xb2: {  	[dreg:$0x5] =	wrdreg $0x9  }
0xb3: {  	_ =	task.clear_ibuf [dreg:s8], $0x6FFFF;
	_ =	strace $0x90000046  }
0xb4: {  	s29 =	simm.s32 $0x9;
	_ =	strace $0x80000051  }
0xb5: {  	_ =	swait.ge [sflag:s29], $0x1  }
0xb6: {  	[sflag:s29] =	ssyncadd.s32 $0xFFFFFFFF  }
0xb7: {  	_ =	strace $0x90000051  }
0xb8: {  	_ =	sfence  }
0xb9: {  	s30 =	sld [smem:$0x0];
	_ =	sdelay $0x2  }
0xba: {  	s31 =	sshll.u32 s1, $0xD;
	s1 =	sshrl.u32 s1, $0x2  }
0xbb: {  	s3 =	sand.u32 $0x4000, s31;
	s1 =	sadd.s32 s1, s30  }
0xbc: {  	s0 =	sor.u32 s3, s0;
	s1 =	sshll.u32 s1, $0x11  }
0xbd: {  	s0 =	sor.u32 s1, s0  }
0xbe: {  	s0 =	sadd.s32 $0x8F2B, s0  }
0xbf: {  	[sflag:s0] =	ssyncadd.remote.s32 $0x1  }
0xc0: {  	_ =	sfence.sel $0xFFFF  }
0xc1: {  	[dreg:$0x0] =	wrdreg $0xFFFFFFFF;
	(pc) =	sbr.abs _section_cstart, $3  }
0xc2: {  	[dreg:$0x1] =	wrdreg $0xFFFFFFFF  }
0xc3: {  	_ =	task.clear_ibuf [dreg:s8], $0x2FFFF;
	_ =	strace $0x9FFFFFFF  }
0xc4: {  	(tm) =	ssettm $0x7FFFFFFF  }
0xc5: {  	_ =	shalt  }
tec
execute0_lowered:
.L_overlay_start_1:
0x0: {  	(tag) =	ssettag $0x1  }
0x1: {  	s1 =	rddreg [dreg:$0x0]  }
0x2: {  	s0 =	rddreg [dreg:$0x2];
	s2 =	srdreg.scid  }
0x3: {  	s5 =	stileid.u32;
	s6 =	simm.s32 $0x0;
	s2 =	sand.u32 $0x1, s2  }
0x4: {  	s5 =	sshll.u32 s5, $0x2;
	s4 =	sshll.u32 s2, $0x6;
	s2 =	ssub.s32 $0x2, s2  }
0x5: {  	[smem:$0x7FF] =	sst s6;
	s5 =	sor.u32 s5, s4;
	s29 =	sshrl.u32 s2, $0x1  }
0x6: {  	s6 =	sadd.s32 $0x400, s0;
	s4 =	sshll.u32 s5, $0xA;
	s0 =	ssub.s32 s2, s29  }
0x7: {  	s3 =	rddreg [dreg:$0x1];
	s4 =	sor.u32 $0x60000, s4;
	s0 =	smax.u32 s0, $0x1  }
0x8: {  	_ =	strace $0x80000047;
	s30 =	sadd.s32 s1, s4;
	[dreg:$0x6] =	wrdreg s0  }
0x9: {  	s31 =	sadd.s32 s3, s4;
	[dreg:$0x4] =	wrdreg s30  }
0xa: {  	s11 =	simm.s32 $0x0;
	[dreg:$0x5] =	wrdreg s31  }
.LBB2_1:
0xb: {  	_ =	strace $0x80000048;
	s0 =	simm.s32 $0x0;
	s4 =	simm.s32 $0x4000  }
0xc: {  	s13 =	simm.s32 $0x0;
	s22 =	simm.s32 $0x0;
	s12 =	simm.s32 $0x0  }
0xd: {  	s14 =	simm.s32 $0x0;
	s15 =	simm.s32 $0x0;
	s2 =	rddreg [dreg:$0x4]  }
0xe: {  	[tilespmem:s0], [sflag:$0x1] =	stream.linear.gather [hbm4b:s2+s0], $0x2000, $0x200038;
	[tilespmem:$0xC000] =	vst v63  }
0xf: {  	s16 =	simm.s32 $0x1;
	s17 =	simm.s32 $0x0;
	s31 =	rddreg [dreg:$0x5]  }
0x10: {  	[tilespmem:s4], [sflag:$0x3] =	stream.linear.gather [hbm4b:s31+s0], $0x2000, $0x200038;
	[tilespmem:$0xC000] =	vst v63  }
0x11: {  	s18 =	simm.s32 $0x1;
	s19 =	simm.s32 $0x0;
	_ =	strace $0x90000048  }
.LBB2_2:
0x12: {  	s0 =	smov.u32 s13;
	s13 =	sadd.s32 $0x1, s13  }
0x13: {  	s2 =	simm.s32 $0x1;
	p0 =	seq.s32 s13, $0x4  }
0x14: {  	s2 =	simm.s32 @!p0 $0x0  }
0x15: {  	s20 =	sadd.s32 s2, s22  }
0x16: {  	s7 =	sshll.u32 s22, $0x9;
	p1 =	seq.s32 s20, $0x2  }
0x17: {  	s8 =	simm.s32 $0x1;
	s13 =	simm.s32 @p0 $0x0;
	s20 =	simm.s32 @p1 $0x0  }
0x18: {  	s23 =	sadd.s32 s5, s0;
	s24 =	sadd.s32 s5, s13;
	s4 =	sshll.u32 s20, $0x9  }
0x19: {  	p3 =	seq.s32 s0, $0x0;
	s2 =	sadd.s32 s7, s23;
	s4 =	sadd.s32 s4, s24  }
0x1a: {  	p2 =	sne.s32 s19, $0x7;
	s8 =	simm.s32 @!p3 $0x0;
	p6 =	sne.s32 s2, s4  }
0x1b: {  	s26 =	ssub.s32 s22, s8;
	s21 =	sadd.s32 $0x180, s4;
	p0 =	por !p2, !p6  }
0x1c: {  	p1 =	por !p0, !p0;
	p0 =	sne.s32 s0, s13;
	s0 =	sadd.s32 $0xFFFFFFFF, s0  }
0x1d: {  	_ =	strace @p1 $0x80000049;
	s4 =	sand.u32 @p1 $0x1, s18;
	s7 =	sshll.u32 @p1 s21, $0xA  }
0x1e: {  	s10 =	simm.s32 @p1 $0x0;
	p2 =	por !p2, !p0;
	s0 =	simm.s32 @p3 $0x3  }
0x1f: {  	p3 =	seq.s32 s26, $0xFFFFFFFF;
	s9 =	sshll.u32 @p1 s4, $0xD;
	s7 =	sand.u32 @p1 $0x1FFFFC00, s7  }
0x20: {  	s4 =	sadd.s32 @p1 $0x1, s4;
	p2 =	por !p2, !p2;
	s7 =	sadd.s32 @p1 s1, s7  }
0x21: {  	[tilespmem:s9], [sflag:s4] =	stream.linear.gather @p1 [hbm4b:s7+s10], $0x2000, $0x200038;
	[tilespmem:$0xC000] =	vst v63  }
0x22: {  	s26 =	simm.s32 @p3 $0x1;
	s4 =	sshll.u32 @p2 s24, $0xD;
	s7 =	sand.u32 @p2 $0x1, s16  }
0x23: {  	s9 =	simm.s32 @p2 $0x0;
	_ =	strace @p1 $0x90000049;
	s4 =	sadd.s32 @p2 $0x300000, s4  }
0x24: {  	s8 =	sshll.u32 @p2 s7, $0xD;
	s7 =	sadd.s32 @p2 $0x3, s7;
	s4 =	sshrl.u32 @p2 s4, $0x3  }
0x25: {  	_ =	strace @p2 $0x8000004A;
	s8 =	sor.u32 @p2 $0x4000, s8;
	s4 =	sadd.s32 @p2 s3, s4  }
0x26: {  	[tilespmem:s8], [sflag:s7] =	stream.linear.gather @p2 [hbm4b:s4+s9], $0x2000, $0x200038;
	[tilespmem:$0xC000] =	vst v63  }
0x27: {  	s28 =	sadd.s32 s5, s0;
	s8 =	sshll.u32 s26, $0x9  }
0x28: {  	s0 =	sadd.s32 s8, s28  }
0x29: {  	s25 =	sadd.s32 $0x180, s2;
	p3 =	seq.s32 s19, $0x0;
	s0 =	sadd.s32 $0x180, s0  }
0x2a: {  	p4 =	seq.s32 @!p3 s25, s0  }
0x2b: {  	_ =	strace @p2 $0x9000004A;
	s0 =	sand.u32 $0x1, s17;
	p3 =	por p3, !p4  }
0x2c: {  	_ =	strace @p3 $0x8000004B;
	s2 =	sadd.s32 @p3 $0x1, s0  }
0x2d: {  	_ =	swait.ge @p3 [sflag:s2], $0x2000  }
0x2e: {  	s29 =	sand.u32 $0x1, s14;
	[sflag:s2] =	ssyncset.done @p3 $0x0  }
0x2f: {  	s9 =	sand.u32 $0x1, s15;
	s4 =	simm.s32 $0x1;
	[sflag:s2] =	ssyncadd.s32 @p3 $0xFFFFE000  }
0x30: {  	s10 =	sadd.s32 $0x3, s9;
	s4 =	simm.s32 @!p1 $0x0;
	_ =	strace @p3 $0x9000004B  }
0x31: {  	s18 =	sadd.s32 s4, s18;
	s4 =	simm.s32 $0x1;
	_ =	strace $0x8000004C  }
0x32: {  	s31 =	sshll.u32 s29, $0xD;
	s4 =	simm.s32 @!p2 $0x0;
	_ =	swait.ge [sflag:s10], $0x2000  }
0x33: {  	s30 =	sor.u32 $0x8000, s31;
	s16 =	sadd.s32 s4, s16;
	[sflag:s10] =	ssyncset.done $0x0  }
0x34: {  	s4 =	sor.u32 $0x8040, s31;
	s2 =	sshll.u32 s9, $0xD;
	[sflag:s10] =	ssyncadd.s32 $0xFFFFE000  }
0x35: {  	s0 =	sshll.u32 s0, $0xD;
	s9 =	sor.u32 $0x4040, s2;
	_ =	strace $0x9000004C  }
0x36: {  	s2 =	sor.u32 $0x40, s0;
	s10 =	simm.s32 $0x0;
	_ =	strace $0x8000004D  }
.LBB2_3:
0x37: {  	v1 =	vld [tilespmem:s2+$0x30]  }
0x38: {  	v2 =	vld [tilespmem:s9+$0x30]  }
0x39: {  	v0 =	vld [tilespmem:s9+$0xFFFFFFC0]  }
0x3a: {  	v3 =	vld [tilespmem:s2+$0xFFFFFFD0]  }
0x3b: {  	v4 =	vld [tilespmem:s9+$0xFFFFFFD0]  }
0x3c: {  	v5 =	vld [tilespmem:s2+$0xFFFFFFE0]  }
0x3d: {  	v6 =	vld [tilespmem:s9+$0xFFFFFFE0]  }
0x3e: {  	v7 =	vld [tilespmem:s2+$0xFFFFFFF0]  }
0x3f: {  	v8 =	vld [tilespmem:s9+$0xFFFFFFF0]  }
0x40: {  	v9 =	vld [tilespmem:s2+$0x0]  }
0x41: {  	v10 =	vld [tilespmem:s9+$0x0];
	v2 =	vadd.f32 v2, v1  }
0x42: {  	v4 =	vadd.f32 v4, v3;
	v1 =	vld [tilespmem:s2+$0x10]  }
0x43: {  	v5 =	vadd.f32 v6, v5;
	v3 =	vld [tilespmem:s9+$0x10];
	[tilespmem:s4+$0x30] =	vst v2  }
0x44: {  	v6 =	vadd.f32 v8, v7;
	[tilespmem:s4+$0xFFFFFFD0] =	vst v4;
	v2 =	vld [tilespmem:s2+$0x20]  }
0x45: {  	s7 =	simm.s32 $0x0;
	[tilespmem:s4+$0xFFFFFFE0] =	vst v5;
	v5 =	vld [tilespmem:s9+$0x20]  }
0x46: {  	s8 =	sadd.s32 $0x400, s2;
	s0 =	smov.u32 s9;
	s31 =	smov.u32 s4;
	v4 =	vld [tilespmem:s2+$0xFFFFFFC0];
	[tilespmem:s4+$0xFFFFFFF0] =	vst v6;
	v6 =	vadd.f32 v10, v9  }
.LBB2_4:
0x47: {  	v7 =	vld [tilespmem:s8+$0x30];
	s0 =	sadd.s32 $0x400, s0  }
0x48: {  	s7 =	sadd.s32 $0x80, s7;
	v8 =	vld [tilespmem:s0+$0x30];
	[tilespmem:s31+$0x0] =	vst v6;
	v1 =	vadd.f32 v3, v1  }
0x49: {  	p1 =	slt.u32 s7, $0x380;
	v3 =	vld [tilespmem:s0+$0xFFFFFFC0]  }
0x4a: {  	v6 =	vld [tilespmem:s8+$0xFFFFFFD0];
	[tilespmem:s31+$0x10] =	vst v1;
	v1 =	vadd.f32 v5, v2  }
0x4b: {  	v2 =	vld [tilespmem:s0+$0xFFFFFFD0];
	v9 =	vadd.f32 v0, v4  }
0x4c: {  	v4 =	vld [tilespmem:s8+$0xFFFFFFE0];
	[tilespmem:s31+$0x20] =	vst v1  }
0x4d: {  	v1 =	vld [tilespmem:s0+$0xFFFFFFE0];
	v5 =	vadd.f32 v8, v7;
	[tilespmem:s31+$0xFFFFFFC0] =	vst v9  }
0x4e: {  	s31 =	sadd.s32 $0x400, s31;
	v7 =	vld [tilespmem:s8+$0xFFFFFFF0];
	v0 =	vmov v3  }
0x4f: {  	v8 =	vld [tilespmem:s0+$0xFFFFFFF0];
	[tilespmem:s31+$0x30] =	vst v5  }
0x50: {  	v2 =	vadd.f32 v2, v6;
	v6 =	vld [tilespmem:s8+$0x0]  }
0x51: {  	v9 =	vld [tilespmem:s0+$0x0]  }
.Ltmp0:
0x52: {  	[tilespmem:s31+$0xFFFFFFD0] =	vst v2;
	v2 =	vadd.f32 v1, v4;
	v1 =	vld [tilespmem:s8+$0x10];
	(pc) =	sbr.rel @p1 .LBB2_4-.Ltmp0, $4  }
0x53: {  	v3 =	vld [tilespmem:s0+$0x10]  }
0x54: {  	[tilespmem:s31+$0xFFFFFFE0] =	vst v2;
	v7 =	vadd.f32 v8, v7;
	v2 =	vld [tilespmem:s8+$0x20]  }
0x55: {  	v5 =	vld [tilespmem:s0+$0x20]  }
0x56: {  	v4 =	vld [tilespmem:s8+$0xFFFFFFC0];
	[tilespmem:s31+$0xFFFFFFF0] =	vst v7;
	v6 =	vadd.f32 v9, v6;
	s8 =	sadd.s32 $0x400, s8  }
0x57: {  	s10 =	sadd.s32 $0x1, s10  }
0x58: {  	p1 =	sne.s32 s10, $0x8  }
.Ltmp1:
0x59: {  	v1 =	vadd.f32 v3, v1;
	(pc) =	sbr.rel @p1 .LBB2_3-.Ltmp1, $4  }
0x5a: {  	[tilespmem:s31+$0x0] =	vst v6;
	v2 =	vadd.f32 v5, v2  }
0x5b: {  	[tilespmem:s31+$0x10] =	vst v1;
	v0 =	vadd.f32 v0, v4  }
0x5c: {  	[tilespmem:s31+$0x20] =	vst v2  }
0x5d: {  	s4 =	sadd.s32 $0x80, s4;
	s9 =	sadd.s32 $0x80, s9;
	s2 =	sadd.s32 $0x80, s2;
	[tilespmem:s31+$0xFFFFFFC0] =	vst v0  }
0x5e: {  	s0 =	sshll.u32 s22, $0x7;
	s2 =	sshll.u32 s20, $0x7  }
0x5f: {  	p1 =	seq.s32 s19, $0x7;
	s31 =	sshll.u32 s26, $0x7;
	_ =	strace $0x9000004D  }
0x60: {  	p4 =	sne.s32 s19, $0x0;
	s0 =	sadd.s32 s0, s23;
	s2 =	sadd.s32 s24, s2  }
0x61: {  	p6 =	sne.s32 s25, s21;
	p2 =	sne.s32 s0, s2;
	s2 =	sadd.s32 s28, s31  }
0x62: {  	s19 =	sadd.s32 $0x1, s19;
	p2 =	por p1, p2;
	p3 =	sne.s32 s0, s2  }
0x63: {  	s22 =	smov.u32 s20;
	s4 =	sshll.u32 @p2 s0, $0xA;
	p3 =	por !p4, !p3  }
0x64: {  	_ =	strace @p2 $0x8000004E;
	s2 =	sadd.s32 @p2 $0x5, s29;
	s0 =	sand.u32 @p2 $0x1FFFFC00, s4  }
0x65: {  	s4 =	simm.s32 @p2 $0x0;
	p3 =	por !p3, !p3;
	s0 =	sadd.s32 @p2 s6, s0  }
0x66: {  	[hbm4b:s0+s4] =	stream.linear.scatter @p2 [tilespmem:s30], [sflag:s2], $0x2000, $0x200038;
	[tilespmem:$0xC000] =	vst v63  }
0x67: {  	p0 =	por p1, p0;
	s0 =	sand.u32 @p3 $0x1, s12;
	s2 =	simm.s32 $0x1  }
0x68: {  	s4 =	simm.s32 $0x1;
	_ =	strace @p2 $0x9000004E;
	s0 =	sadd.s32 @p3 $0x5, s0  }
0x69: {  	s4 =	simm.s32 @!p0 $0x0;
	p0 =	sne.s32 s19, $0x8;
	_ =	strace @p3 $0x8000004F  }
.Ltmp2:
0x6a: {  	s2 =	simm.s32 @!p2 $0x0;
	_ =	swait.ge @p3 [sflag:s0], $0x2000;
	(pc) =	sbr.rel @p0 .LBB2_2-.Ltmp2, $4  }
0x6b: {  	p2 =	por p1, p6;
	s14 =	sadd.s32 s2, s14;
	[sflag:s0] =	ssyncset.done @p3 $0x0  }
0x6c: {  	s2 =	simm.s32 $0x1;
	[sflag:s0] =	ssyncadd.s32 @p3 $0xFFFFE000;
	s0 =	simm.s32 $0x1  }
0x6d: {  	s15 =	sadd.s32 s4, s15;
	s2 =	simm.s32 @!p2 $0x0;
	s0 =	simm.s32 @!p3 $0x0  }
0x6e: {  	s17 =	sadd.s32 s2, s17;
	_ =	strace @p3 $0x9000004F;
	s12 =	sadd.s32 s0, s12  }
0x6f: {  	s0 =	sand.u32 $0x1, s12  }
0x70: {  	_ =	strace $0x80000050;
	s0 =	sadd.s32 $0x5, s0  }
0x71: {  	_ =	swait.ge [sflag:s0], $0x2000  }
0x72: {  	s11 =	sadd.s32 $0x1, s11;
	s31 =	rddreg [dreg:$0x6]  }
0x73: {  	p0 =	sne.s32 s11, s31  }
.Ltmp3:
0x74: {  	_ = 	snop;
	(pc) =	sbr.rel @p0 .LBB2_1-.Ltmp3, $4  }
0x75: {  	_ = 	snop  }
0x76: {  	[sflag:s0] =	ssyncset.done $0x0  }
0x77: {  	[sflag:s0] =	ssyncadd.s32 $0xFFFFE000  }
0x78: {  	_ =	strace $0x90000050  }
0x79: {  	_ =	sfence.sel $0x180000  }
0x7a: {  	[bflag:$0x0] =	sbarrier.arrive $0xFFFF  }
0x7b: {  	_ =	strace $0x90000047  }
0x7c: {  	s0 =	stileid.u32;
	[bflag:$0x2] =	sbarrier.arrive $0xFFFF  }
0x7d: {  	p0 =	sne.s32 s0, $0x0;
	s0 =	rddreg [dreg:$0x3]  }
0x7e: {  	s0 =	sadd.s32 @!p0 $0x100000, s0  }
0x7f: {  	[sflag:s0] =	ssyncadd.tile.s32 @!p0 $0x1;
	_ =	shalt  }
.Lfunc_end2:
_tile_overlayer_lowered:
.L_overlay_start_2:
0x80: {  	(tag) =	ssettag $0x2  }
0x81: {  	s0 =	rddreg [dreg:$0x0];
	s2 =	stileid.u32  }
0x82: {  	s1 =	rddreg [dreg:$0x1];
	p0 =	sne.s32 s2, $0x0  }
0x83: {  	s3 =	rddreg [dreg:$0x2];
	[bflag:$0x3] =	sbarrier.arrive $0xFFFF;
	s2 =	simm.s32 @!p0 $0x1C01  }
0x84: {  	[timem:s3], [sflag:s2] =	dma.local @!p0 [hbm:s0], s1  }
0x85: {  	s0 =	simm.s32 @!p0 $0x1  }
0x86: {  	_ =	swait.ge @!p0 [sflag:s0], s1  }
0x87: {  	s1 =	ssub.s32 @!p0 $0x0, s1;
	[sflag:s0] =	ssyncset.done @!p0 $0x0  }
0x88: {  	[sflag:s0] =	ssyncadd.s32 @!p0 s1  }
0x89: {  	[bflag:$0x3] =	sbarrier.arrive $0xFFFF  }
0x8a: {  	_ =	shalt  }

</sc_bundles>
